<compile_context>
chip_gen: v7x
topology: tpu7x:2x2x1
jax: 0.10.2.dev20260603
libtpu: 0.0.44.dev20260713+nightly
codegen_flags: <defaults>
</compile_context>

<pallas_src>
import functools

import jax
import jax.numpy as jnp
from jax import lax
from jax.experimental import pallas as pl
from jax.experimental.pallas import tpu as pltpu
from jax.experimental.pallas import tpu_sc as plsc

N = 100000
K = 16
L = 16
NC = 2
NS = 16
NW = NC * NS
WPC = 10
CW = N // WPC
CHUNK = 400
NCHUNK = CW // CHUNK
GROUPS = CHUNK // L

_mesh = plsc.VectorSubcoreMesh(core_axis_name="c", subcore_axis_name="s")


@functools.partial(
    pl.kernel,
    out_type=jax.ShapeDtypeStruct((NW, L), jnp.float32),
    mesh=_mesh,
    scratch_types=[
        pltpu.VMEM((N,), jnp.float32),
        pltpu.VMEM((K, CHUNK), jnp.int32),
        pltpu.VMEM((K, CHUNK), jnp.int32),
        pltpu.VMEM((CHUNK,), jnp.int32),
        pltpu.VMEM((CHUNK,), jnp.int32),
        pltpu.VMEM((L,), jnp.float32),
        pltpu.SemaphoreType.DMA,
        pltpu.SemaphoreType.DMA,
        pltpu.SemaphoreType.DMA,
    ],
    compiler_params=pltpu.CompilerParams(
        needs_layout_passes=False, use_tc_tiling_on_sc=False),
)
def _flatten_loss_sc(vt_hbm, idx_hbm, nn_hbm, out_hbm,
                     table_v, idx_v0, idx_v1, nn_v0, nn_v1, out_v,
                     sem_t, sem0, sem1):
    cid = lax.axis_index("c")
    sid = lax.axis_index("s")
    wid = sid * NC + cid
    active = wid < 3 * WPC

    @pl.when(active)
    def _work():
        coord = wid // WPC
        vbase = (wid % WPC) * CW

        tbl_cp = pltpu.async_copy(vt_hbm.at[coord], table_v, sem_t)

        sems = (sem0, sem1)
        idx_bufs = (idx_v0, idx_v1)
        nn_bufs = (nn_v0, nn_v1)

        def start(k, p):
            cbase = vbase + k * CHUNK
            pltpu.async_copy(
                idx_hbm.at[:, pl.ds(cbase, CHUNK)], idx_bufs[p], sems[p])
            pltpu.async_copy(
                nn_hbm.at[pl.ds(cbase, CHUNK)], nn_bufs[p], sems[p])

        def group_body(g, carry, k, p):
            acc = carry
            goff = g * L
            nn_vec = nn_bufs[p][pl.ds(goff, L)]
            psums = [jnp.zeros((L,), jnp.float32) for _ in range(4)]
            for j in range(K):
                iv = idx_bufs[p][j, pl.ds(goff, L)]
                vals = plsc.load_gather(table_v, [iv])
                psums[j % 4] = psums[j % 4] + jnp.where(j < nn_vec, vals, 0.0)
            psum = (psums[0] + psums[1]) + (psums[2] + psums[3])
            own = table_v[pl.ds(vbase + k * CHUNK + goff, L)]
            d = psum / nn_vec.astype(jnp.float32) - own
            return acc + d * d

        def chunk_step(k, acc, p):
            @pl.when(k + 1 < NCHUNK)
            def _prefetch():
                start(k + 1, 1 - p)
            cbase = vbase + k * CHUNK
            pltpu.make_async_copy(
                idx_hbm.at[:, pl.ds(cbase, CHUNK)], idx_bufs[p],
                sems[p]).wait()
            pltpu.make_async_copy(
                nn_hbm.at[pl.ds(cbase, CHUNK)], nn_bufs[p], sems[p]).wait()
            return plsc.parallel_loop(0, GROUPS, unroll=1, carry=acc)(
                lambda g, a: group_body(g, a, k, p))

        start(0, 0)
        tbl_cp.wait()
        acc = lax.fori_loop(
            0, NCHUNK,
            lambda k, a: lax.cond(
                k % 2 == 0,
                lambda x: chunk_step(k, x, 0),
                lambda x: chunk_step(k, x, 1),
                a),
            jnp.zeros((L,), jnp.float32))
        out_v[...] = acc

    @pl.when(jnp.logical_not(active))
    def _idle():
        out_v[...] = jnp.zeros((L,), jnp.float32)

    pltpu.sync_copy(out_v, out_hbm.at[wid])


def kernel(vertices, mask, neighbor_indices, neighbor_num, region_mask):
    vt = vertices.T
    idxt = neighbor_indices.T
    partials = _flatten_loss_sc(vt, idxt, neighbor_num)
    return jnp.sum(partials) / (3.0 * N)

# --- scband reference (transcript-rebuilt; emitter-appended) ---
"""Pipeline reference for scband-flatten-loss-v2-62929860821310 (READ-ONLY COPY).

The authoritative reference and input builder live on the scoring server;
editing this copy changes nothing except your own understanding.
"""

import jax, jax.numpy as jnp
import numpy as np

N = 100000  # number of mesh vertices
K = 16      # padded max neighbor count (max_ns)


def setup_inputs(seed: int = 0) -> dict:
    key = jax.random.key(seed)
    k1, k2, k3 = jax.random.split(key, 3)
    vertices = jax.random.normal(k1, (N, 3), dtype=jnp.float32)
    # Padded neighbor index table [N, K]; padded slots point anywhere (masked out).
    neighbor_indices = jax.random.randint(k2, (N, K), 0, N, dtype=jnp.int32)
    # Actual neighbor counts per vertex (mesh 1-ring valence, 4..16).
    neighbor_num = jax.random.randint(k3, (N,), 4, K + 1, dtype=jnp.int32)
    # mask[i, j] = 1 if j < neighbor_num[i] else 0, repeated over xyz -> [N, K, 3]
    mask = (jnp.arange(K)[None, :] < neighbor_num[:, None]).astype(jnp.float32)
    mask = jnp.repeat(mask[:, :, None], 3, axis=2)
    # Default branch of the module: region_mask covers all vertices.
    region_mask = jnp.arange(N, dtype=jnp.int32)
    return {
        "vertices": vertices,
        "mask": mask,
        "neighbor_indices": neighbor_indices,
        "neighbor_num": neighbor_num,
        "region_mask": region_mask,
    }


def reference(vertices, mask, neighbor_indices, neighbor_num, region_mask):
    # Gather neighbor positions: [N, K, 3], zero out padded slots.
    neighbor_pos = jnp.take(vertices, neighbor_indices, axis=0) * mask
    # Masked segment-style reduction over the neighbor axis.
    pos_sum = jnp.sum(neighbor_pos, axis=1)                       # [N, 3]
    ave_pos = pos_sum / neighbor_num[:, None].astype(vertices.dtype)
    # MSELoss (mean reduction) between neighborhood centroid and vertex pos.
    diff = jnp.take(ave_pos, region_mask, axis=0) - jnp.take(vertices, region_mask, axis=0)
    return jnp.mean(diff * diff)

if __name__ == "__main__":
    import jax
    _d = setup_inputs()
    print(jax.jit(kernel)(*tuple(_d.values())))

</pallas_src>

<mosaic_0001>
#map = affine_map<(d0, d1) -> (0, 0)>
#map1 = affine_map<(d0, d1) -> (0)>
module attributes {stable_mosaic.version = 14 : i64} {
  func.func @_flatten_loss_sc(%arg0: i32, %arg1: i32, %arg2: memref<3x100000xf32, #tpu.memory_space<hbm>>, %arg3: memref<16x100000xi32, #tpu.memory_space<hbm>>, %arg4: memref<100000xi32, #tpu.memory_space<hbm>>, %arg5: memref<32x16xf32, #tpu.memory_space<hbm>>, %arg6: memref<100000xf32, #tpu.memory_space<vmem>>, %arg7: memref<16x400xi32, #tpu.memory_space<vmem>>, %arg8: memref<16x400xi32, #tpu.memory_space<vmem>>, %arg9: memref<400xi32, #tpu.memory_space<vmem>>, %arg10: memref<400xi32, #tpu.memory_space<vmem>>, %arg11: memref<16xf32, #tpu.memory_space<vmem>>, %arg12: memref<!tpu.dma_semaphore, #tpu.memory_space<semaphore_mem>>, %arg13: memref<!tpu.dma_semaphore, #tpu.memory_space<semaphore_mem>>, %arg14: memref<!tpu.dma_semaphore, #tpu.memory_space<semaphore_mem>>) attributes {dimension_semantics = [#tpu.dimension_semantics<core_parallel>, #tpu.dimension_semantics<subcore_parallel>], iteration_bounds = array<i64: 2, 16>, scalar_prefetch = 0 : i64, scratch_operands = 9 : i64, tpu.core_type = #tpu.core_type<sc_vector_subcore>, window_params = [{transform_indices = #map}, {transform_indices = #map}, {transform_indices = #map1}, {transform_indices = #map}]} {
    %mul3A = arith.constant 2 : i32
    %mul3A_0 = arith.muli %arg1, %mul3A : i32
    %add3A = arith.addi %mul3A_0, %arg0 : i32
    %lt3A = arith.constant 30 : i32
    %lt3A_1 = arith.cmpi slt, %add3A, %lt3A : i32
    %convert_element_type3A = arith.extui %lt3A_1 : i1 to i32
    %cond3A = arith.constant 0 : i32
    %cond3A_2 = arith.cmpi ne, %convert_element_type3A, %cond3A : i32
    scf.if %cond3A_2 {
      %jit3A = arith.constant 10 : i32
      %div3A = arith.divsi %add3A, %jit3A : i32
      %sign3A = arith.constant 0 : i32
      %sign3A_7 = arith.cmpi sgt, %add3A, %sign3A : i32
      %sign3A_8 = arith.extui %sign3A_7 : i1 to i32
      %sign3A_9 = arith.constant 0 : i32
      %sign3A_10 = arith.cmpi slt, %add3A, %sign3A_9 : i32
      %sign3A_11 = arith.extui %sign3A_10 : i1 to i32
      %sign3A_12 = arith.subi %sign3A_8, %sign3A_11 : i32
      %sign3A_13 = arith.constant 0 : i32
      %sign3A_14 = arith.cmpi sgt, %jit3A, %sign3A_13 : i32
      %sign3A_15 = arith.extui %sign3A_14 : i1 to i32
      %sign3A_16 = arith.constant 0 : i32
      %sign3A_17 = arith.cmpi slt, %jit3A, %sign3A_16 : i32
      %sign3A_18 = arith.extui %sign3A_17 : i1 to i32
      %sign3A_19 = arith.subi %sign3A_15, %sign3A_18 : i32
      %ne3A = arith.cmpi ne, %sign3A_12, %sign3A_19 : i32
      %rem3A = arith.remsi %add3A, %jit3A : i32
      %ne3A_20 = arith.constant 0 : i32
      %ne3A_21 = arith.cmpi ne, %rem3A, %ne3A_20 : i32
      %and3A = arith.andi %ne3A, %ne3A_21 : i1
      %sub3A = arith.constant 1 : i32
      %sub3A_22 = arith.subi %div3A, %sub3A : i32
      %select_n3A = arith.select %and3A, %sub3A_22, %div3A : i32
      %jit3A_23 = arith.constant 10 : i32
      %eq3A = arith.constant 0 : i32
      %eq3A_24 = arith.cmpi eq, %jit3A_23, %eq3A : i32
      %jit3A_25 = arith.constant 1 : i32
      %select_n3A_26 = arith.select %eq3A_24, %jit3A_25, %jit3A_23 : i32
      %rem3A_27 = arith.remsi %add3A, %select_n3A_26 : i32
      %ne3A_28 = arith.constant 0 : i32
      %ne3A_29 = arith.cmpi ne, %rem3A_27, %ne3A_28 : i32
      %lt3A_30 = arith.constant 0 : i32
      %lt3A_31 = arith.cmpi slt, %rem3A_27, %lt3A_30 : i32
      %lt3A_32 = arith.constant 0 : i32
      %lt3A_33 = arith.cmpi slt, %select_n3A_26, %lt3A_32 : i32
      %ne3A_34 = arith.xori %lt3A_31, %lt3A_33 : i1
      %and3A_35 = arith.andi %ne3A_34, %ne3A_29 : i1
      %add3A_36 = arith.addi %rem3A_27, %select_n3A_26 : i32
      %select_n3A_37 = arith.select %and3A_35, %add3A_36, %rem3A_27 : i32
      %mul3A_38 = arith.constant 10000 : i32
      %mul3A_39 = arith.muli %select_n3A_37, %mul3A_38 : i32
      %dma_start3A = arith.constant 0 : i32
      %dma_start3A_40 = tpu.memref_slice %arg2[%select_n3A, %dma_start3A] : memref<3x100000xf32, #tpu.memory_space<hbm>> -> memref<1x100000xf32, #tpu.memory_space<hbm>>
      %dma_start3A_41 = tpu.memref_squeeze %dma_start3A_40 : memref<1x100000xf32, #tpu.memory_space<hbm>> -> memref<100000xf32, #tpu.memory_space<hbm>>
      %dma_start3A_42 = arith.constant 0 : i32
      %dma_start3A_43 = tpu.memref_slice %arg2[%select_n3A, %dma_start3A_42] : memref<3x100000xf32, #tpu.memory_space<hbm>> -> memref<1x100000xf32, #tpu.memory_space<hbm>>
      %dma_start3A_44 = tpu.memref_squeeze %dma_start3A_43 : memref<1x100000xf32, #tpu.memory_space<hbm>> -> memref<100000xf32, #tpu.memory_space<hbm>>
      tpu.enqueue_dma source(%dma_start3A_44 : memref<100000xf32, #tpu.memory_space<hbm>>) target(%arg6 : memref<100000xf32, #tpu.memory_space<vmem>>) target_semaphore(%arg12 : memref<!tpu.dma_semaphore, #tpu.memory_space<semaphore_mem>>)
      %add3A_45 = arith.constant 0 : i32
      %add3A_46 = arith.addi %mul3A_39, %add3A_45 : i32
      %dma_start3A_47 = arith.constant 0 : i32
      %dma_start3A_48 = tpu.memref_slice %arg3[%dma_start3A_47, %add3A_46] : memref<16x100000xi32, #tpu.memory_space<hbm>> -> memref<16x400xi32, #tpu.memory_space<hbm>>
      %dma_start3A_49 = arith.constant 0 : i32
      %dma_start3A_50 = tpu.memref_slice %arg3[%dma_start3A_49, %add3A_46] : memref<16x100000xi32, #tpu.memory_space<hbm>> -> memref<16x400xi32, #tpu.memory_space<hbm>>
      tpu.enqueue_dma source(%dma_start3A_50 : memref<16x400xi32, #tpu.memory_space<hbm>>) target(%arg7 : memref<16x400xi32, #tpu.memory_space<vmem>>) target_semaphore(%arg13 : memref<!tpu.dma_semaphore, #tpu.memory_space<semaphore_mem>>)
      %dma_start3A_51 = tpu.memref_slice %arg4[%add3A_46] : memref<100000xi32, #tpu.memory_space<hbm>> -> memref<400xi32, #tpu.memory_space<hbm>>
      %dma_start3A_52 = tpu.memref_slice %arg4[%add3A_46] : memref<100000xi32, #tpu.memory_space<hbm>> -> memref<400xi32, #tpu.memory_space<hbm>>
      tpu.enqueue_dma source(%dma_start3A_52 : memref<400xi32, #tpu.memory_space<hbm>>) target(%arg9 : memref<400xi32, #tpu.memory_space<vmem>>) target_semaphore(%arg13 : memref<!tpu.dma_semaphore, #tpu.memory_space<semaphore_mem>>)
      %dma_wait3A = arith.constant 0 : i32
      %dma_wait3A_53 = tpu.memref_slice %arg2[%select_n3A, %dma_wait3A] : memref<3x100000xf32, #tpu.memory_space<hbm>> -> memref<1x100000xf32, #tpu.memory_space<hbm>>
      %dma_wait3A_54 = tpu.memref_squeeze %dma_wait3A_53 : memref<1x100000xf32, #tpu.memory_space<hbm>> -> memref<100000xf32, #tpu.memory_space<hbm>>
      %dma_wait3A_55 = arith.constant 0 : i32
      %dma_wait3A_56 = tpu.memref_slice %arg2[%select_n3A, %dma_wait3A_55] : memref<3x100000xf32, #tpu.memory_space<hbm>> -> memref<1x100000xf32, #tpu.memory_space<hbm>>
      %dma_wait3A_57 = tpu.memref_squeeze %dma_wait3A_56 : memref<1x100000xf32, #tpu.memory_space<hbm>> -> memref<100000xf32, #tpu.memory_space<hbm>>
      tpu.wait_dma2 semaphore(%arg12 : memref<!tpu.dma_semaphore, #tpu.memory_space<semaphore_mem>>) src(%dma_wait3A_57 : memref<100000xf32, #tpu.memory_space<hbm>>) dst(%arg6 : memref<100000xf32, #tpu.memory_space<vmem>>)
      %broadcast_in_dim3A = arith.constant 0.000000e+00 : f32
      %broadcast_in_dim3A_58 = vector.broadcast %broadcast_in_dim3A : f32 to vector<16xf32>
      %scan3A = arith.constant 0 : i32
      %scan3A_59 = arith.constant 25 : i32
      %scan3A_60 = arith.addi %scan3A, %scan3A_59 : i32
      %scan3A_61 = arith.constant 1 : i32
      %scan3A_62 = scf.for %scan3A_65 = %scan3A to %scan3A_60 step %scan3A_61 iter_args(%scan3A_66 = %broadcast_in_dim3A_58) -> (vector<16xf32>)  : i32 {
        %jit3A_67 = arith.constant 2 : i32
        %eq3A_68 = arith.constant 0 : i32
        %eq3A_69 = arith.cmpi eq, %jit3A_67, %eq3A_68 : i32
        %jit3A_70 = arith.constant 1 : i32
        %select_n3A_71 = arith.select %eq3A_69, %jit3A_70, %jit3A_67 : i32
        %rem3A_72 = arith.remsi %scan3A_65, %select_n3A_71 : i32
        %ne3A_73 = arith.constant 0 : i32
        %ne3A_74 = arith.cmpi ne, %rem3A_72, %ne3A_73 : i32
        %lt3A_75 = arith.constant 0 : i32
        %lt3A_76 = arith.cmpi slt, %rem3A_72, %lt3A_75 : i32
        %lt3A_77 = arith.constant 0 : i32
        %lt3A_78 = arith.cmpi slt, %select_n3A_71, %lt3A_77 : i32
        %ne3A_79 = arith.xori %lt3A_76, %lt3A_78 : i1
        %and3A_80 = arith.andi %ne3A_79, %ne3A_74 : i1
        %add3A_81 = arith.addi %rem3A_72, %select_n3A_71 : i32
        %select_n3A_82 = arith.select %and3A_80, %add3A_81, %rem3A_72 : i32
        %eq3A_83 = arith.constant 0 : i32
        %eq3A_84 = arith.cmpi eq, %select_n3A_82, %eq3A_83 : i32
        %convert_element_type3A_85 = arith.extui %eq3A_84 : i1 to i32
        %cond3A_86 = arith.constant 0 : i32
        %cond3A_87 = arith.cmpi ne, %convert_element_type3A_85, %cond3A_86 : i32
        %cond3A_88 = scf.if %cond3A_87 -> (vector<16xf32>) {
          %add3A_89 = arith.constant 1 : i32
          %add3A_90 = arith.addi %scan3A_65, %add3A_89 : i32
          %lt3A_91 = arith.constant 25 : i32
          %lt3A_92 = arith.cmpi slt, %add3A_90, %lt3A_91 : i32
          %convert_element_type3A_93 = arith.extui %lt3A_92 : i1 to i32
          %cond3A_94 = arith.constant 0 : i32
          %cond3A_95 = arith.cmpi ne, %convert_element_type3A_93, %cond3A_94 : i32
          scf.if %cond3A_95 {
            %add3A_108 = arith.constant 1 : i32
            %add3A_109 = arith.addi %scan3A_65, %add3A_108 : i32
            %mul3A_110 = arith.constant 400 : i32
            %mul3A_111 = arith.muli %add3A_109, %mul3A_110 : i32
            %add3A_112 = arith.addi %mul3A_39, %mul3A_111 : i32
            %dma_start3A_113 = arith.constant 0 : i32
            %dma_start3A_114 = tpu.memref_slice %arg3[%dma_start3A_113, %add3A_112] : memref<16x100000xi32, #tpu.memory_space<hbm>> -> memref<16x400xi32, #tpu.memory_space<hbm>>
            %dma_start3A_115 = arith.constant 0 : i32
            %dma_start3A_116 = tpu.memref_slice %arg3[%dma_start3A_115, %add3A_112] : memref<16x100000xi32, #tpu.memory_space<hbm>> -> memref<16x400xi32, #tpu.memory_space<hbm>>
            tpu.enqueue_dma source(%dma_start3A_116 : memref<16x400xi32, #tpu.memory_space<hbm>>) target(%arg8 : memref<16x400xi32, #tpu.memory_space<vmem>>) target_semaphore(%arg14 : memref<!tpu.dma_semaphore, #tpu.memory_space<semaphore_mem>>)
            %dma_start3A_117 = tpu.memref_slice %arg4[%add3A_112] : memref<100000xi32, #tpu.memory_space<hbm>> -> memref<400xi32, #tpu.memory_space<hbm>>
            %dma_start3A_118 = tpu.memref_slice %arg4[%add3A_112] : memref<100000xi32, #tpu.memory_space<hbm>> -> memref<400xi32, #tpu.memory_space<hbm>>
            tpu.enqueue_dma source(%dma_start3A_118 : memref<400xi32, #tpu.memory_space<hbm>>) target(%arg10 : memref<400xi32, #tpu.memory_space<vmem>>) target_semaphore(%arg14 : memref<!tpu.dma_semaphore, #tpu.memory_space<semaphore_mem>>)
          } else {
          }
          %mul3A_96 = arith.constant 400 : i32
          %mul3A_97 = arith.muli %scan3A_65, %mul3A_96 : i32
          %add3A_98 = arith.addi %mul3A_39, %mul3A_97 : i32
          %dma_wait3A_99 = arith.constant 0 : i32
          %dma_wait3A_100 = tpu.memref_slice %arg3[%dma_wait3A_99, %add3A_98] : memref<16x100000xi32, #tpu.memory_space<hbm>> -> memref<16x400xi32, #tpu.memory_space<hbm>>
          %dma_wait3A_101 = arith.constant 0 : i32
          %dma_wait3A_102 = tpu.memref_slice %arg3[%dma_wait3A_101, %add3A_98] : memref<16x100000xi32, #tpu.memory_space<hbm>> -> memref<16x400xi32, #tpu.memory_space<hbm>>
          tpu.wait_dma2 semaphore(%arg13 : memref<!tpu.dma_semaphore, #tpu.memory_space<semaphore_mem>>) src(%dma_wait3A_102 : memref<16x400xi32, #tpu.memory_space<hbm>>) dst(%arg7 : memref<16x400xi32, #tpu.memory_space<vmem>>)
          %dma_wait3A_103 = tpu.memref_slice %arg4[%add3A_98] : memref<100000xi32, #tpu.memory_space<hbm>> -> memref<400xi32, #tpu.memory_space<hbm>>
          %dma_wait3A_104 = tpu.memref_slice %arg4[%add3A_98] : memref<100000xi32, #tpu.memory_space<hbm>> -> memref<400xi32, #tpu.memory_space<hbm>>
          tpu.wait_dma2 semaphore(%arg13 : memref<!tpu.dma_semaphore, #tpu.memory_space<semaphore_mem>>) src(%dma_wait3A_104 : memref<400xi32, #tpu.memory_space<hbm>>) dst(%arg9 : memref<400xi32, #tpu.memory_space<vmem>>)
          %parallel_loop3A = arith.constant 0 : i32
          %parallel_loop3A_105 = arith.constant 25 : i32
          %parallel_loop3A_106 = arith.constant 1 : i32
          %parallel_loop3A_107 = scf.for %parallel_loop3A_108 = %parallel_loop3A to %parallel_loop3A_105 step %parallel_loop3A_106 iter_args(%parallel_loop3A_109 = %scan3A_66) -> (vector<16xf32>)  : i32 {
            %parallel_loop3A_110 = arith.constant 16 : i32
            %parallel_loop3A_111 = arith.muli %parallel_loop3A_108, %parallel_loop3A_110 : i32
            %parallel_loop3A_112 = arith.index_cast %parallel_loop3A_111 : i32 to index
            %parallel_loop3A_113 = tpu.vector_load %arg9[%parallel_loop3A_112] {strides = array<i32>} : memref<400xi32, #tpu.memory_space<vmem>>, vector<16xi32>,
            %parallel_loop3A_114 = arith.constant 0.000000e+00 : f32
            %parallel_loop3A_115 = vector.broadcast %parallel_loop3A_114 : f32 to vector<16xf32>
            %parallel_loop3A_116 = arith.constant 0.000000e+00 : f32
            %parallel_loop3A_117 = vector.broadcast %parallel_loop3A_116 : f32 to vector<16xf32>
            %parallel_loop3A_118 = arith.constant 0.000000e+00 : f32
            %parallel_loop3A_119 = vector.broadcast %parallel_loop3A_118 : f32 to vector<16xf32>
            %parallel_loop3A_120 = arith.constant 0.000000e+00 : f32
            %parallel_loop3A_121 = vector.broadcast %parallel_loop3A_120 : f32 to vector<16xf32>
            %parallel_loop3A_122 = arith.constant 0 : i32
            %parallel_loop3A_123 = arith.index_cast %parallel_loop3A_122 : i32 to index
            %parallel_loop3A_124 = arith.index_cast %parallel_loop3A_111 : i32 to index
            %parallel_loop3A_125 = tpu.vector_load %arg7[%parallel_loop3A_123, %parallel_loop3A_124] {strides = array<i32>} : memref<16x400xi32, #tpu.memory_space<vmem>>, vector<16xi32>,
            %parallel_loop3A_126 = tpu.vector_load_idx %arg6[%parallel_loop3A_125] : memref<100000xf32, #tpu.memory_space<vmem>>[vector<16xi32>], vector<16xf32>,
            %parallel_loop3A_127 = arith.constant 0 : i32
            %parallel_loop3A_128 = vector.broadcast %parallel_loop3A_127 : i32 to vector<16xi32>
            %parallel_loop3A_129 = arith.cmpi sgt, %parallel_loop3A_113, %parallel_loop3A_128 : vector<16xi32>
            %parallel_loop3A_130 = arith.constant 0.000000e+00 : f32
            %parallel_loop3A_131 = vector.broadcast %parallel_loop3A_130 : f32 to vector<16xf32>
            %parallel_loop3A_132 = arith.select %parallel_loop3A_129, %parallel_loop3A_126, %parallel_loop3A_131 : vector<16xi1>, vector<16xf32>
            %parallel_loop3A_133 = arith.addf %parallel_loop3A_115, %parallel_loop3A_132 : vector<16xf32>
            %parallel_loop3A_134 = arith.constant 1 : i32
            %parallel_loop3A_135 = arith.index_cast %parallel_loop3A_134 : i32 to index
            %parallel_loop3A_136 = arith.index_cast %parallel_loop3A_111 : i32 to index
            %parallel_loop3A_137 = tpu.vector_load %arg7[%parallel_loop3A_135, %parallel_loop3A_136] {strides = array<i32>} : memref<16x400xi32, #tpu.memory_space<vmem>>, vector<16xi32>,
            %parallel_loop3A_138 = tpu.vector_load_idx %arg6[%parallel_loop3A_137] : memref<100000xf32, #tpu.memory_space<vmem>>[vector<16xi32>], vector<16xf32>,
            %parallel_loop3A_139 = arith.constant 1 : i32
            %parallel_loop3A_140 = vector.broadcast %parallel_loop3A_139 : i32 to vector<16xi32>
            %parallel_loop3A_141 = arith.cmpi sgt, %parallel_loop3A_113, %parallel_loop3A_140 : vector<16xi32>
            %parallel_loop3A_142 = arith.constant 0.000000e+00 : f32
            %parallel_loop3A_143 = vector.broadcast %parallel_loop3A_142 : f32 to vector<16xf32>
            %parallel_loop3A_144 = arith.select %parallel_loop3A_141, %parallel_loop3A_138, %parallel_loop3A_143 : vector<16xi1>, vector<16xf32>
            %parallel_loop3A_145 = arith.addf %parallel_loop3A_117, %parallel_loop3A_144 : vector<16xf32>
            %parallel_loop3A_146 = arith.constant 2 : i32
            %parallel_loop3A_147 = arith.index_cast %parallel_loop3A_146 : i32 to index
            %parallel_loop3A_148 = arith.index_cast %parallel_loop3A_111 : i32 to index
            %parallel_loop3A_149 = tpu.vector_load %arg7[%parallel_loop3A_147, %parallel_loop3A_148] {strides = array<i32>} : memref<16x400xi32, #tpu.memory_space<vmem>>, vector<16xi32>,
            %parallel_loop3A_150 = tpu.vector_load_idx %arg6[%parallel_loop3A_149] : memref<100000xf32, #tpu.memory_space<vmem>>[vector<16xi32>], vector<16xf32>,
            %parallel_loop3A_151 = arith.constant 2 : i32
            %parallel_loop3A_152 = vector.broadcast %parallel_loop3A_151 : i32 to vector<16xi32>
            %parallel_loop3A_153 = arith.cmpi sgt, %parallel_loop3A_113, %parallel_loop3A_152 : vector<16xi32>
            %parallel_loop3A_154 = arith.constant 0.000000e+00 : f32
            %parallel_loop3A_155 = vector.broadcast %parallel_loop3A_154 : f32 to vector<16xf32>
            %parallel_loop3A_156 = arith.select %parallel_loop3A_153, %parallel_loop3A_150, %parallel_loop3A_155 : vector<16xi1>, vector<16xf32>
            %parallel_loop3A_157 = arith.addf %parallel_loop3A_119, %parallel_loop3A_156 : vector<16xf32>
            %parallel_loop3A_158 = arith.constant 3 : i32
            %parallel_loop3A_159 = arith.index_cast %parallel_loop3A_158 : i32 to index
            %parallel_loop3A_160 = arith.index_cast %parallel_loop3A_111 : i32 to index
            %parallel_loop3A_161 = tpu.vector_load %arg7[%parallel_loop3A_159, %parallel_loop3A_160] {strides = array<i32>} : memref<16x400xi32, #tpu.memory_space<vmem>>, vector<16xi32>,
            %parallel_loop3A_162 = tpu.vector_load_idx %arg6[%parallel_loop3A_161] : memref<100000xf32, #tpu.memory_space<vmem>>[vector<16xi32>], vector<16xf32>,
            %parallel_loop3A_163 = arith.constant 3 : i32
            %parallel_loop3A_164 = vector.broadcast %parallel_loop3A_163 : i32 to vector<16xi32>
            %parallel_loop3A_165 = arith.cmpi sgt, %parallel_loop3A_113, %parallel_loop3A_164 : vector<16xi32>
            %parallel_loop3A_166 = arith.constant 0.000000e+00 : f32
            %parallel_loop3A_167 = vector.broadcast %parallel_loop3A_166 : f32 to vector<16xf32>
            %parallel_loop3A_168 = arith.select %parallel_loop3A_165, %parallel_loop3A_162, %parallel_loop3A_167 : vector<16xi1>, vector<16xf32>
            %parallel_loop3A_169 = arith.addf %parallel_loop3A_121, %parallel_loop3A_168 : vector<16xf32>
            %parallel_loop3A_170 = arith.constant 4 : i32
            %parallel_loop3A_171 = arith.index_cast %parallel_loop3A_170 : i32 to index
            %parallel_loop3A_172 = arith.index_cast %parallel_loop3A_111 : i32 to index
            %parallel_loop3A_173 = tpu.vector_load %arg7[%parallel_loop3A_171, %parallel_loop3A_172] {strides = array<i32>} : memref<16x400xi32, #tpu.memory_space<vmem>>, vector<16xi32>,
            %parallel_loop3A_174 = tpu.vector_load_idx %arg6[%parallel_loop3A_173] : memref<100000xf32, #tpu.memory_space<vmem>>[vector<16xi32>], vector<16xf32>,
            %parallel_loop3A_175 = arith.constant 4 : i32
            %parallel_loop3A_176 = vector.broadcast %parallel_loop3A_175 : i32 to vector<16xi32>
            %parallel_loop3A_177 = arith.cmpi sgt, %parallel_loop3A_113, %parallel_loop3A_176 : vector<16xi32>
            %parallel_loop3A_178 = arith.constant 0.000000e+00 : f32
            %parallel_loop3A_179 = vector.broadcast %parallel_loop3A_178 : f32 to vector<16xf32>
            %parallel_loop3A_180 = arith.select %parallel_loop3A_177, %parallel_loop3A_174, %parallel_loop3A_179 : vector<16xi1>, vector<16xf32>
            %parallel_loop3A_181 = arith.addf %parallel_loop3A_133, %parallel_loop3A_180 : vector<16xf32>
            %parallel_loop3A_182 = arith.constant 5 : i32
            %parallel_loop3A_183 = arith.index_cast %parallel_loop3A_182 : i32 to index
            %parallel_loop3A_184 = arith.index_cast %parallel_loop3A_111 : i32 to index
            %parallel_loop3A_185 = tpu.vector_load %arg7[%parallel_loop3A_183, %parallel_loop3A_184] {strides = array<i32>} : memref<16x400xi32, #tpu.memory_space<vmem>>, vector<16xi32>,
            %parallel_loop3A_186 = tpu.vector_load_idx %arg6[%parallel_loop3A_185] : memref<100000xf32, #tpu.memory_space<vmem>>[vector<16xi32>], vector<16xf32>,
            %parallel_loop3A_187 = arith.constant 5 : i32
            %parallel_loop3A_188 = vector.broadcast %parallel_loop3A_187 : i32 to vector<16xi32>
            %parallel_loop3A_189 = arith.cmpi sgt, %parallel_loop3A_113, %parallel_loop3A_188 : vector<16xi32>
            %parallel_loop3A_190 = arith.constant 0.000000e+00 : f32
            %parallel_loop3A_191 = vector.broadcast %parallel_loop3A_190 : f32 to vector<16xf32>
            %parallel_loop3A_192 = arith.select %parallel_loop3A_189, %parallel_loop3A_186, %parallel_loop3A_191 : vector<16xi1>, vector<16xf32>
            %parallel_loop3A_193 = arith.addf %parallel_loop3A_145, %parallel_loop3A_192 : vector<16xf32>
            %parallel_loop3A_194 = arith.constant 6 : i32
            %parallel_loop3A_195 = arith.index_cast %parallel_loop3A_194 : i32 to index
            %parallel_loop3A_196 = arith.index_cast %parallel_loop3A_111 : i32 to index
            %parallel_loop3A_197 = tpu.vector_load %arg7[%parallel_loop3A_195, %parallel_loop3A_196] {strides = array<i32>} : memref<16x400xi32, #tpu.memory_space<vmem>>, vector<16xi32>,
            %parallel_loop3A_198 = tpu.vector_load_idx %arg6[%parallel_loop3A_197] : memref<100000xf32, #tpu.memory_space<vmem>>[vector<16xi32>], vector<16xf32>,
            %parallel_loop3A_199 = arith.constant 6 : i32
            %parallel_loop3A_200 = vector.broadcast %parallel_loop3A_199 : i32 to vector<16xi32>
            %parallel_loop3A_201 = arith.cmpi sgt, %parallel_loop3A_113, %parallel_loop3A_200 : vector<16xi32>
            %parallel_loop3A_202 = arith.constant 0.000000e+00 : f32
            %parallel_loop3A_203 = vector.broadcast %parallel_loop3A_202 : f32 to vector<16xf32>
            %parallel_loop3A_204 = arith.select %parallel_loop3A_201, %parallel_loop3A_198, %parallel_loop3A_203 : vector<16xi1>, vector<16xf32>
            %parallel_loop3A_205 = arith.addf %parallel_loop3A_157, %parallel_loop3A_204 : vector<16xf32>
            %parallel_loop3A_206 = arith.constant 7 : i32
            %parallel_loop3A_207 = arith.index_cast %parallel_loop3A_206 : i32 to index
            %parallel_loop3A_208 = arith.index_cast %parallel_loop3A_111 : i32 to index
            %parallel_loop3A_209 = tpu.vector_load %arg7[%parallel_loop3A_207, %parallel_loop3A_208] {strides = array<i32>} : memref<16x400xi32, #tpu.memory_space<vmem>>, vector<16xi32>,
            %parallel_loop3A_210 = tpu.vector_load_idx %arg6[%parallel_loop3A_209] : memref<100000xf32, #tpu.memory_space<vmem>>[vector<16xi32>], vector<16xf32>,
            %parallel_loop3A_211 = arith.constant 7 : i32
            %parallel_loop3A_212 = vector.broadcast %parallel_loop3A_211 : i32 to vector<16xi32>
            %parallel_loop3A_213 = arith.cmpi sgt, %parallel_loop3A_113, %parallel_loop3A_212 : vector<16xi32>
            %parallel_loop3A_214 = arith.constant 0.000000e+00 : f32
            %parallel_loop3A_215 = vector.broadcast %parallel_loop3A_214 : f32 to vector<16xf32>
            %parallel_loop3A_216 = arith.select %parallel_loop3A_213, %parallel_loop3A_210, %parallel_loop3A_215 : vector<16xi1>, vector<16xf32>
            %parallel_loop3A_217 = arith.addf %parallel_loop3A_169, %parallel_loop3A_216 : vector<16xf32>
            %parallel_loop3A_218 = arith.constant 8 : i32
            %parallel_loop3A_219 = arith.index_cast %parallel_loop3A_218 : i32 to index
            %parallel_loop3A_220 = arith.index_cast %parallel_loop3A_111 : i32 to index
            %parallel_loop3A_221 = tpu.vector_load %arg7[%parallel_loop3A_219, %parallel_loop3A_220] {strides = array<i32>} : memref<16x400xi32, #tpu.memory_space<vmem>>, vector<16xi32>,
            %parallel_loop3A_222 = tpu.vector_load_idx %arg6[%parallel_loop3A_221] : memref<100000xf32, #tpu.memory_space<vmem>>[vector<16xi32>], vector<16xf32>,
            %parallel_loop3A_223 = arith.constant 8 : i32
            %parallel_loop3A_224 = vector.broadcast %parallel_loop3A_223 : i32 to vector<16xi32>
            %parallel_loop3A_225 = arith.cmpi sgt, %parallel_loop3A_113, %parallel_loop3A_224 : vector<16xi32>
            %parallel_loop3A_226 = arith.constant 0.000000e+00 : f32
            %parallel_loop3A_227 = vector.broadcast %parallel_loop3A_226 : f32 to vector<16xf32>
            %parallel_loop3A_228 = arith.select %parallel_loop3A_225, %parallel_loop3A_222, %parallel_loop3A_227 : vector<16xi1>, vector<16xf32>
            %parallel_loop3A_229 = arith.addf %parallel_loop3A_181, %parallel_loop3A_228 : vector<16xf32>
            %parallel_loop3A_230 = arith.constant 9 : i32
            %parallel_loop3A_231 = arith.index_cast %parallel_loop3A_230 : i32 to index
            %parallel_loop3A_232 = arith.index_cast %parallel_loop3A_111 : i32 to index
            %parallel_loop3A_233 = tpu.vector_load %arg7[%parallel_loop3A_231, %parallel_loop3A_232] {strides = array<i32>} : memref<16x400xi32, #tpu.memory_space<vmem>>, vector<16xi32>,
            %parallel_loop3A_234 = tpu.vector_load_idx %arg6[%parallel_loop3A_233] : memref<100000xf32, #tpu.memory_space<vmem>>[vector<16xi32>], vector<16xf32>,
            %parallel_loop3A_235 = arith.constant 9 : i32
            %parallel_loop3A_236 = vector.broadcast %parallel_loop3A_235 : i32 to vector<16xi32>
            %parallel_loop3A_237 = arith.cmpi sgt, %parallel_loop3A_113, %parallel_loop3A_236 : vector<16xi32>
            %parallel_loop3A_238 = arith.constant 0.000000e+00 : f32
            %parallel_loop3A_239 = vector.broadcast %parallel_loop3A_238 : f32 to vector<16xf32>
            %parallel_loop3A_240 = arith.select %parallel_loop3A_237, %parallel_loop3A_234, %parallel_loop3A_239 : vector<16xi1>, vector<16xf32>
            %parallel_loop3A_241 = arith.addf %parallel_loop3A_193, %parallel_loop3A_240 : vector<16xf32>
            %parallel_loop3A_242 = arith.constant 10 : i32
            %parallel_loop3A_243 = arith.index_cast %parallel_loop3A_242 : i32 to index
            %parallel_loop3A_244 = arith.index_cast %parallel_loop3A_111 : i32 to index
            %parallel_loop3A_245 = tpu.vector_load %arg7[%parallel_loop3A_243, %parallel_loop3A_244] {strides = array<i32>} : memref<16x400xi32, #tpu.memory_space<vmem>>, vector<16xi32>,
            %parallel_loop3A_246 = tpu.vector_load_idx %arg6[%parallel_loop3A_245] : memref<100000xf32, #tpu.memory_space<vmem>>[vector<16xi32>], vector<16xf32>,
            %parallel_loop3A_247 = arith.constant 10 : i32
            %parallel_loop3A_248 = vector.broadcast %parallel_loop3A_247 : i32 to vector<16xi32>
            %parallel_loop3A_249 = arith.cmpi sgt, %parallel_loop3A_113, %parallel_loop3A_248 : vector<16xi32>
            %parallel_loop3A_250 = arith.constant 0.000000e+00 : f32
            %parallel_loop3A_251 = vector.broadcast %parallel_loop3A_250 : f32 to vector<16xf32>
            %parallel_loop3A_252 = arith.select %parallel_loop3A_249, %parallel_loop3A_246, %parallel_loop3A_251 : vector<16xi1>, vector<16xf32>
            %parallel_loop3A_253 = arith.addf %parallel_loop3A_205, %parallel_loop3A_252 : vector<16xf32>
            %parallel_loop3A_254 = arith.constant 11 : i32
            %parallel_loop3A_255 = arith.index_cast %parallel_loop3A_254 : i32 to index
            %parallel_loop3A_256 = arith.index_cast %parallel_loop3A_111 : i32 to index
            %parallel_loop3A_257 = tpu.vector_load %arg7[%parallel_loop3A_255, %parallel_loop3A_256] {strides = array<i32>} : memref<16x400xi32, #tpu.memory_space<vmem>>, vector<16xi32>,
            %parallel_loop3A_258 = tpu.vector_load_idx %arg6[%parallel_loop3A_257] : memref<100000xf32, #tpu.memory_space<vmem>>[vector<16xi32>], vector<16xf32>,
            %parallel_loop3A_259 = arith.constant 11 : i32
            %parallel_loop3A_260 = vector.broadcast %parallel_loop3A_259 : i32 to vector<16xi32>
            %parallel_loop3A_261 = arith.cmpi sgt, %parallel_loop3A_113, %parallel_loop3A_260 : vector<16xi32>
            %parallel_loop3A_262 = arith.constant 0.000000e+00 : f32
            %parallel_loop3A_263 = vector.broadcast %parallel_loop3A_262 : f32 to vector<16xf32>
            %parallel_loop3A_264 = arith.select %parallel_loop3A_261, %parallel_loop3A_258, %parallel_loop3A_263 : vector<16xi1>, vector<16xf32>
            %parallel_loop3A_265 = arith.addf %parallel_loop3A_217, %parallel_loop3A_264 : vector<16xf32>
            %parallel_loop3A_266 = arith.constant 12 : i32
            %parallel_loop3A_267 = arith.index_cast %parallel_loop3A_266 : i32 to index
            %parallel_loop3A_268 = arith.index_cast %parallel_loop3A_111 : i32 to index
            %parallel_loop3A_269 = tpu.vector_load %arg7[%parallel_loop3A_267, %parallel_loop3A_268] {strides = array<i32>} : memref<16x400xi32, #tpu.memory_space<vmem>>, vector<16xi32>,
            %parallel_loop3A_270 = tpu.vector_load_idx %arg6[%parallel_loop3A_269] : memref<100000xf32, #tpu.memory_space<vmem>>[vector<16xi32>], vector<16xf32>,
            %parallel_loop3A_271 = arith.constant 12 : i32
            %parallel_loop3A_272 = vector.broadcast %parallel_loop3A_271 : i32 to vector<16xi32>
            %parallel_loop3A_273 = arith.cmpi sgt, %parallel_loop3A_113, %parallel_loop3A_272 : vector<16xi32>
            %parallel_loop3A_274 = arith.constant 0.000000e+00 : f32
            %parallel_loop3A_275 = vector.broadcast %parallel_loop3A_274 : f32 to vector<16xf32>
            %parallel_loop3A_276 = arith.select %parallel_loop3A_273, %parallel_loop3A_270, %parallel_loop3A_275 : vector<16xi1>, vector<16xf32>
            %parallel_loop3A_277 = arith.addf %parallel_loop3A_229, %parallel_loop3A_276 : vector<16xf32>
            %parallel_loop3A_278 = arith.constant 13 : i32
            %parallel_loop3A_279 = arith.index_cast %parallel_loop3A_278 : i32 to index
            %parallel_loop3A_280 = arith.index_cast %parallel_loop3A_111 : i32 to index
            %parallel_loop3A_281 = tpu.vector_load %arg7[%parallel_loop3A_279, %parallel_loop3A_280] {strides = array<i32>} : memref<16x400xi32, #tpu.memory_space<vmem>>, vector<16xi32>,
            %parallel_loop3A_282 = tpu.vector_load_idx %arg6[%parallel_loop3A_281] : memref<100000xf32, #tpu.memory_space<vmem>>[vector<16xi32>], vector<16xf32>,
            %parallel_loop3A_283 = arith.constant 13 : i32
            %parallel_loop3A_284 = vector.broadcast %parallel_loop3A_283 : i32 to vector<16xi32>
            %parallel_loop3A_285 = arith.cmpi sgt, %parallel_loop3A_113, %parallel_loop3A_284 : vector<16xi32>
            %parallel_loop3A_286 = arith.constant 0.000000e+00 : f32
            %parallel_loop3A_287 = vector.broadcast %parallel_loop3A_286 : f32 to vector<16xf32>
            %parallel_loop3A_288 = arith.select %parallel_loop3A_285, %parallel_loop3A_282, %parallel_loop3A_287 : vector<16xi1>, vector<16xf32>
            %parallel_loop3A_289 = arith.addf %parallel_loop3A_241, %parallel_loop3A_288 : vector<16xf32>
            %parallel_loop3A_290 = arith.constant 14 : i32
            %parallel_loop3A_291 = arith.index_cast %parallel_loop3A_290 : i32 to index
            %parallel_loop3A_292 = arith.index_cast %parallel_loop3A_111 : i32 to index
            %parallel_loop3A_293 = tpu.vector_load %arg7[%parallel_loop3A_291, %parallel_loop3A_292] {strides = array<i32>} : memref<16x400xi32, #tpu.memory_space<vmem>>, vector<16xi32>,
            %parallel_loop3A_294 = tpu.vector_load_idx %arg6[%parallel_loop3A_293] : memref<100000xf32, #tpu.memory_space<vmem>>[vector<16xi32>], vector<16xf32>,
            %parallel_loop3A_295 = arith.constant 14 : i32
            %parallel_loop3A_296 = vector.broadcast %parallel_loop3A_295 : i32 to vector<16xi32>
            %parallel_loop3A_297 = arith.cmpi sgt, %parallel_loop3A_113, %parallel_loop3A_296 : vector<16xi32>
            %parallel_loop3A_298 = arith.constant 0.000000e+00 : f32
            %parallel_loop3A_299 = vector.broadcast %parallel_loop3A_298 : f32 to vector<16xf32>
            %parallel_loop3A_300 = arith.select %parallel_loop3A_297, %parallel_loop3A_294, %parallel_loop3A_299 : vector<16xi1>, vector<16xf32>
            %parallel_loop3A_301 = arith.addf %parallel_loop3A_253, %parallel_loop3A_300 : vector<16xf32>
            %parallel_loop3A_302 = arith.constant 15 : i32
            %parallel_loop3A_303 = arith.index_cast %parallel_loop3A_302 : i32 to index
            %parallel_loop3A_304 = arith.index_cast %parallel_loop3A_111 : i32 to index
            %parallel_loop3A_305 = tpu.vector_load %arg7[%parallel_loop3A_303, %parallel_loop3A_304] {strides = array<i32>} : memref<16x400xi32, #tpu.memory_space<vmem>>, vector<16xi32>,
            %parallel_loop3A_306 = tpu.vector_load_idx %arg6[%parallel_loop3A_305] : memref<100000xf32, #tpu.memory_space<vmem>>[vector<16xi32>], vector<16xf32>,
            %parallel_loop3A_307 = arith.constant 15 : i32
            %parallel_loop3A_308 = vector.broadcast %parallel_loop3A_307 : i32 to vector<16xi32>
            %parallel_loop3A_309 = arith.cmpi sgt, %parallel_loop3A_113, %parallel_loop3A_308 : vector<16xi32>
            %parallel_loop3A_310 = arith.constant 0.000000e+00 : f32
            %parallel_loop3A_311 = vector.broadcast %parallel_loop3A_310 : f32 to vector<16xf32>
            %parallel_loop3A_312 = arith.select %parallel_loop3A_309, %parallel_loop3A_306, %parallel_loop3A_311 : vector<16xi1>, vector<16xf32>
            %parallel_loop3A_313 = arith.addf %parallel_loop3A_265, %parallel_loop3A_312 : vector<16xf32>
            %parallel_loop3A_314 = arith.addf %parallel_loop3A_277, %parallel_loop3A_289 : vector<16xf32>
            %parallel_loop3A_315 = arith.addf %parallel_loop3A_301, %parallel_loop3A_313 : vector<16xf32>
            %parallel_loop3A_316 = arith.addf %parallel_loop3A_314, %parallel_loop3A_315 : vector<16xf32>
            %parallel_loop3A_317 = arith.constant 400 : i32
            %parallel_loop3A_318 = arith.muli %scan3A_65, %parallel_loop3A_317 : i32
            %parallel_loop3A_319 = arith.addi %mul3A_39, %parallel_loop3A_318 : i32
            %parallel_loop3A_320 = arith.addi %parallel_loop3A_319, %parallel_loop3A_111 : i32
            %parallel_loop3A_321 = arith.index_cast %parallel_loop3A_320 : i32 to index
            %parallel_loop3A_322 = tpu.vector_load %arg6[%parallel_loop3A_321] {strides = array<i32>} : memref<100000xf32, #tpu.memory_space<vmem>>, vector<16xf32>,
            %parallel_loop3A_323 = arith.sitofp %parallel_loop3A_113 : vector<16xi32> to vector<16xf32>
            %parallel_loop3A_324 = arith.divf %parallel_loop3A_316, %parallel_loop3A_323 : vector<16xf32>
            %parallel_loop3A_325 = arith.subf %parallel_loop3A_324, %parallel_loop3A_322 : vector<16xf32>
            %parallel_loop3A_326 = arith.mulf %parallel_loop3A_325, %parallel_loop3A_325 : vector<16xf32>
            %parallel_loop3A_327 = arith.addf %parallel_loop3A_109, %parallel_loop3A_326 : vector<16xf32>
            scf.yield %parallel_loop3A_327 : vector<16xf32>
          } {sc.loop_unroll_factor = 1 : i64, sc.parallel_access}
          scf.yield %parallel_loop3A_107 : vector<16xf32>
        } else {
          %add3A_89 = arith.constant 1 : i32
          %add3A_90 = arith.addi %scan3A_65, %add3A_89 : i32
          %lt3A_91 = arith.constant 25 : i32
          %lt3A_92 = arith.cmpi slt, %add3A_90, %lt3A_91 : i32
          %convert_element_type3A_93 = arith.extui %lt3A_92 : i1 to i32
          %cond3A_94 = arith.constant 0 : i32
          %cond3A_95 = arith.cmpi ne, %convert_element_type3A_93, %cond3A_94 : i32
          scf.if %cond3A_95 {
            %add3A_108 = arith.constant 1 : i32
            %add3A_109 = arith.addi %scan3A_65, %add3A_108 : i32
            %mul3A_110 = arith.constant 400 : i32
            %mul3A_111 = arith.muli %add3A_109, %mul3A_110 : i32
            %add3A_112 = arith.addi %mul3A_39, %mul3A_111 : i32
            %dma_start3A_113 = arith.constant 0 : i32
            %dma_start3A_114 = tpu.memref_slice %arg3[%dma_start3A_113, %add3A_112] : memref<16x100000xi32, #tpu.memory_space<hbm>> -> memref<16x400xi32, #tpu.memory_space<hbm>>
            %dma_start3A_115 = arith.constant 0 : i32
            %dma_start3A_116 = tpu.memref_slice %arg3[%dma_start3A_115, %add3A_112] : memref<16x100000xi32, #tpu.memory_space<hbm>> -> memref<16x400xi32, #tpu.memory_space<hbm>>
            tpu.enqueue_dma source(%dma_start3A_116 : memref<16x400xi32, #tpu.memory_space<hbm>>) target(%arg7 : memref<16x400xi32, #tpu.memory_space<vmem>>) target_semaphore(%arg13 : memref<!tpu.dma_semaphore, #tpu.memory_space<semaphore_mem>>)
            %dma_start3A_117 = tpu.memref_slice %arg4[%add3A_112] : memref<100000xi32, #tpu.memory_space<hbm>> -> memref<400xi32, #tpu.memory_space<hbm>>
            %dma_start3A_118 = tpu.memref_slice %arg4[%add3A_112] : memref<100000xi32, #tpu.memory_space<hbm>> -> memref<400xi32, #tpu.memory_space<hbm>>
            tpu.enqueue_dma source(%dma_start3A_118 : memref<400xi32, #tpu.memory_space<hbm>>) target(%arg9 : memref<400xi32, #tpu.memory_space<vmem>>) target_semaphore(%arg13 : memref<!tpu.dma_semaphore, #tpu.memory_space<semaphore_mem>>)
          } else {
          }
          %mul3A_96 = arith.constant 400 : i32
          %mul3A_97 = arith.muli %scan3A_65, %mul3A_96 : i32
          %add3A_98 = arith.addi %mul3A_39, %mul3A_97 : i32
          %dma_wait3A_99 = arith.constant 0 : i32
          %dma_wait3A_100 = tpu.memref_slice %arg3[%dma_wait3A_99, %add3A_98] : memref<16x100000xi32, #tpu.memory_space<hbm>> -> memref<16x400xi32, #tpu.memory_space<hbm>>
          %dma_wait3A_101 = arith.constant 0 : i32
          %dma_wait3A_102 = tpu.memref_slice %arg3[%dma_wait3A_101, %add3A_98] : memref<16x100000xi32, #tpu.memory_space<hbm>> -> memref<16x400xi32, #tpu.memory_space<hbm>>
          tpu.wait_dma2 semaphore(%arg14 : memref<!tpu.dma_semaphore, #tpu.memory_space<semaphore_mem>>) src(%dma_wait3A_102 : memref<16x400xi32, #tpu.memory_space<hbm>>) dst(%arg8 : memref<16x400xi32, #tpu.memory_space<vmem>>)
          %dma_wait3A_103 = tpu.memref_slice %arg4[%add3A_98] : memref<100000xi32, #tpu.memory_space<hbm>> -> memref<400xi32, #tpu.memory_space<hbm>>
          %dma_wait3A_104 = tpu.memref_slice %arg4[%add3A_98] : memref<100000xi32, #tpu.memory_space<hbm>> -> memref<400xi32, #tpu.memory_space<hbm>>
          tpu.wait_dma2 semaphore(%arg14 : memref<!tpu.dma_semaphore, #tpu.memory_space<semaphore_mem>>) src(%dma_wait3A_104 : memref<400xi32, #tpu.memory_space<hbm>>) dst(%arg10 : memref<400xi32, #tpu.memory_space<vmem>>)
          %parallel_loop3A = arith.constant 0 : i32
          %parallel_loop3A_105 = arith.constant 25 : i32
          %parallel_loop3A_106 = arith.constant 1 : i32
          %parallel_loop3A_107 = scf.for %parallel_loop3A_108 = %parallel_loop3A to %parallel_loop3A_105 step %parallel_loop3A_106 iter_args(%parallel_loop3A_109 = %scan3A_66) -> (vector<16xf32>)  : i32 {
            %parallel_loop3A_110 = arith.constant 16 : i32
            %parallel_loop3A_111 = arith.muli %parallel_loop3A_108, %parallel_loop3A_110 : i32
            %parallel_loop3A_112 = arith.index_cast %parallel_loop3A_111 : i32 to index
            %parallel_loop3A_113 = tpu.vector_load %arg10[%parallel_loop3A_112] {strides = array<i32>} : memref<400xi32, #tpu.memory_space<vmem>>, vector<16xi32>,
            %parallel_loop3A_114 = arith.constant 0.000000e+00 : f32
            %parallel_loop3A_115 = vector.broadcast %parallel_loop3A_114 : f32 to vector<16xf32>
            %parallel_loop3A_116 = arith.constant 0.000000e+00 : f32
            %parallel_loop3A_117 = vector.broadcast %parallel_loop3A_116 : f32 to vector<16xf32>
            %parallel_loop3A_118 = arith.constant 0.000000e+00 : f32
            %parallel_loop3A_119 = vector.broadcast %parallel_loop3A_118 : f32 to vector<16xf32>
            %parallel_loop3A_120 = arith.constant 0.000000e+00 : f32
            %parallel_loop3A_121 = vector.broadcast %parallel_loop3A_120 : f32 to vector<16xf32>
            %parallel_loop3A_122 = arith.constant 0 : i32
            %parallel_loop3A_123 = arith.index_cast %parallel_loop3A_122 : i32 to index
            %parallel_loop3A_124 = arith.index_cast %parallel_loop3A_111 : i32 to index
            %parallel_loop3A_125 = tpu.vector_load %arg8[%parallel_loop3A_123, %parallel_loop3A_124] {strides = array<i32>} : memref<16x400xi32, #tpu.memory_space<vmem>>, vector<16xi32>,
            %parallel_loop3A_126 = tpu.vector_load_idx %arg6[%parallel_loop3A_125] : memref<100000xf32, #tpu.memory_space<vmem>>[vector<16xi32>], vector<16xf32>,
            %parallel_loop3A_127 = arith.constant 0 : i32
            %parallel_loop3A_128 = vector.broadcast %parallel_loop3A_127 : i32 to vector<16xi32>
            %parallel_loop3A_129 = arith.cmpi sgt, %parallel_loop3A_113, %parallel_loop3A_128 : vector<16xi32>
            %parallel_loop3A_130 = arith.constant 0.000000e+00 : f32
            %parallel_loop3A_131 = vector.broadcast %parallel_loop3A_130 : f32 to vector<16xf32>
            %parallel_loop3A_132 = arith.select %parallel_loop3A_129, %parallel_loop3A_126, %parallel_loop3A_131 : vector<16xi1>, vector<16xf32>
            %parallel_loop3A_133 = arith.addf %parallel_loop3A_115, %parallel_loop3A_132 : vector<16xf32>
            %parallel_loop3A_134 = arith.constant 1 : i32
            %parallel_loop3A_135 = arith.index_cast %parallel_loop3A_134 : i32 to index
            %parallel_loop3A_136 = arith.index_cast %parallel_loop3A_111 : i32 to index
            %parallel_loop3A_137 = tpu.vector_load %arg8[%parallel_loop3A_135, %parallel_loop3A_136] {strides = array<i32>} : memref<16x400xi32, #tpu.memory_space<vmem>>, vector<16xi32>,
            %parallel_loop3A_138 = tpu.vector_load_idx %arg6[%parallel_loop3A_137] : memref<100000xf32, #tpu.memory_space<vmem>>[vector<16xi32>], vector<16xf32>,
            %parallel_loop3A_139 = arith.constant 1 : i32
            %parallel_loop3A_140 = vector.broadcast %parallel_loop3A_139 : i32 to vector<16xi32>
            %parallel_loop3A_141 = arith.cmpi sgt, %parallel_loop3A_113, %parallel_loop3A_140 : vector<16xi32>
            %parallel_loop3A_142 = arith.constant 0.000000e+00 : f32
            %parallel_loop3A_143 = vector.broadcast %parallel_loop3A_142 : f32 to vector<16xf32>
            %parallel_loop3A_144 = arith.select %parallel_loop3A_141, %parallel_loop3A_138, %parallel_loop3A_143 : vector<16xi1>, vector<16xf32>
            %parallel_loop3A_145 = arith.addf %parallel_loop3A_117, %parallel_loop3A_144 : vector<16xf32>
            %parallel_loop3A_146 = arith.constant 2 : i32
            %parallel_loop3A_147 = arith.index_cast %parallel_loop3A_146 : i32 to index
            %parallel_loop3A_148 = arith.index_cast %parallel_loop3A_111 : i32 to index
            %parallel_loop3A_149 = tpu.vector_load %arg8[%parallel_loop3A_147, %parallel_loop3A_148] {strides = array<i32>} : memref<16x400xi32, #tpu.memory_space<vmem>>, vector<16xi32>,
            %parallel_loop3A_150 = tpu.vector_load_idx %arg6[%parallel_loop3A_149] : memref<100000xf32, #tpu.memory_space<vmem>>[vector<16xi32>], vector<16xf32>,
            %parallel_loop3A_151 = arith.constant 2 : i32
            %parallel_loop3A_152 = vector.broadcast %parallel_loop3A_151 : i32 to vector<16xi32>
            %parallel_loop3A_153 = arith.cmpi sgt, %parallel_loop3A_113, %parallel_loop3A_152 : vector<16xi32>
            %parallel_loop3A_154 = arith.constant 0.000000e+00 : f32
            %parallel_loop3A_155 = vector.broadcast %parallel_loop3A_154 : f32 to vector<16xf32>
            %parallel_loop3A_156 = arith.select %parallel_loop3A_153, %parallel_loop3A_150, %parallel_loop3A_155 : vector<16xi1>, vector<16xf32>
            %parallel_loop3A_157 = arith.addf %parallel_loop3A_119, %parallel_loop3A_156 : vector<16xf32>
            %parallel_loop3A_158 = arith.constant 3 : i32
            %parallel_loop3A_159 = arith.index_cast %parallel_loop3A_158 : i32 to index
            %parallel_loop3A_160 = arith.index_cast %parallel_loop3A_111 : i32 to index
            %parallel_loop3A_161 = tpu.vector_load %arg8[%parallel_loop3A_159, %parallel_loop3A_160] {strides = array<i32>} : memref<16x400xi32, #tpu.memory_space<vmem>>, vector<16xi32>,
            %parallel_loop3A_162 = tpu.vector_load_idx %arg6[%parallel_loop3A_161] : memref<100000xf32, #tpu.memory_space<vmem>>[vector<16xi32>], vector<16xf32>,
            %parallel_loop3A_163 = arith.constant 3 : i32
            %parallel_loop3A_164 = vector.broadcast %parallel_loop3A_163 : i32 to vector<16xi32>
            %parallel_loop3A_165 = arith.cmpi sgt, %parallel_loop3A_113, %parallel_loop3A_164 : vector<16xi32>
            %parallel_loop3A_166 = arith.constant 0.000000e+00 : f32
            %parallel_loop3A_167 = vector.broadcast %parallel_loop3A_166 : f32 to vector<16xf32>
            %parallel_loop3A_168 = arith.select %parallel_loop3A_165, %parallel_loop3A_162, %parallel_loop3A_167 : vector<16xi1>, vector<16xf32>
            %parallel_loop3A_169 = arith.addf %parallel_loop3A_121, %parallel_loop3A_168 : vector<16xf32>
            %parallel_loop3A_170 = arith.constant 4 : i32
            %parallel_loop3A_171 = arith.index_cast %parallel_loop3A_170 : i32 to index
            %parallel_loop3A_172 = arith.index_cast %parallel_loop3A_111 : i32 to index
            %parallel_loop3A_173 = tpu.vector_load %arg8[%parallel_loop3A_171, %parallel_loop3A_172] {strides = array<i32>} : memref<16x400xi32, #tpu.memory_space<vmem>>, vector<16xi32>,
            %parallel_loop3A_174 = tpu.vector_load_idx %arg6[%parallel_loop3A_173] : memref<100000xf32, #tpu.memory_space<vmem>>[vector<16xi32>], vector<16xf32>,
            %parallel_loop3A_175 = arith.constant 4 : i32
            %parallel_loop3A_176 = vector.broadcast %parallel_loop3A_175 : i32 to vector<16xi32>
            %parallel_loop3A_177 = arith.cmpi sgt, %parallel_loop3A_113, %parallel_loop3A_176 : vector<16xi32>
            %parallel_loop3A_178 = arith.constant 0.000000e+00 : f32
            %parallel_loop3A_179 = vector.broadcast %parallel_loop3A_178 : f32 to vector<16xf32>
            %parallel_loop3A_180 = arith.select %parallel_loop3A_177, %parallel_loop3A_174, %parallel_loop3A_179 : vector<16xi1>, vector<16xf32>
            %parallel_loop3A_181 = arith.addf %parallel_loop3A_133, %parallel_loop3A_180 : vector<16xf32>
            %parallel_loop3A_182 = arith.constant 5 : i32
            %parallel_loop3A_183 = arith.index_cast %parallel_loop3A_182 : i32 to index
            %parallel_loop3A_184 = arith.index_cast %parallel_loop3A_111 : i32 to index
            %parallel_loop3A_185 = tpu.vector_load %arg8[%parallel_loop3A_183, %parallel_loop3A_184] {strides = array<i32>} : memref<16x400xi32, #tpu.memory_space<vmem>>, vector<16xi32>,
            %parallel_loop3A_186 = tpu.vector_load_idx %arg6[%parallel_loop3A_185] : memref<100000xf32, #tpu.memory_space<vmem>>[vector<16xi32>], vector<16xf32>,
            %parallel_loop3A_187 = arith.constant 5 : i32
            %parallel_loop3A_188 = vector.broadcast %parallel_loop3A_187 : i32 to vector<16xi32>
            %parallel_loop3A_189 = arith.cmpi sgt, %parallel_loop3A_113, %parallel_loop3A_188 : vector<16xi32>
            %parallel_loop3A_190 = arith.constant 0.000000e+00 : f32
            %parallel_loop3A_191 = vector.broadcast %parallel_loop3A_190 : f32 to vector<16xf32>
            %parallel_loop3A_192 = arith.select %parallel_loop3A_189, %parallel_loop3A_186, %parallel_loop3A_191 : vector<16xi1>, vector<16xf32>
            %parallel_loop3A_193 = arith.addf %parallel_loop3A_145, %parallel_loop3A_192 : vector<16xf32>
            %parallel_loop3A_194 = arith.constant 6 : i32
            %parallel_loop3A_195 = arith.index_cast %parallel_loop3A_194 : i32 to index
            %parallel_loop3A_196 = arith.index_cast %parallel_loop3A_111 : i32 to index
            %parallel_loop3A_197 = tpu.vector_load %arg8[%parallel_loop3A_195, %parallel_loop3A_196] {strides = array<i32>} : memref<16x400xi32, #tpu.memory_space<vmem>>, vector<16xi32>,
            %parallel_loop3A_198 = tpu.vector_load_idx %arg6[%parallel_loop3A_197] : memref<100000xf32, #tpu.memory_space<vmem>>[vector<16xi32>], vector<16xf32>,
            %parallel_loop3A_199 = arith.constant 6 : i32
            %parallel_loop3A_200 = vector.broadcast %parallel_loop3A_199 : i32 to vector<16xi32>
            %parallel_loop3A_201 = arith.cmpi sgt, %parallel_loop3A_113, %parallel_loop3A_200 : vector<16xi32>
            %parallel_loop3A_202 = arith.constant 0.000000e+00 : f32
            %parallel_loop3A_203 = vector.broadcast %parallel_loop3A_202 : f32 to vector<16xf32>
            %parallel_loop3A_204 = arith.select %parallel_loop3A_201, %parallel_loop3A_198, %parallel_loop3A_203 : vector<16xi1>, vector<16xf32>
            %parallel_loop3A_205 = arith.addf %parallel_loop3A_157, %parallel_loop3A_204 : vector<16xf32>
            %parallel_loop3A_206 = arith.constant 7 : i32
            %parallel_loop3A_207 = arith.index_cast %parallel_loop3A_206 : i32 to index
            %parallel_loop3A_208 = arith.index_cast %parallel_loop3A_111 : i32 to index
            %parallel_loop3A_209 = tpu.vector_load %arg8[%parallel_loop3A_207, %parallel_loop3A_208] {strides = array<i32>} : memref<16x400xi32, #tpu.memory_space<vmem>>, vector<16xi32>,
            %parallel_loop3A_210 = tpu.vector_load_idx %arg6[%parallel_loop3A_209] : memref<100000xf32, #tpu.memory_space<vmem>>[vector<16xi32>], vector<16xf32>,
            %parallel_loop3A_211 = arith.constant 7 : i32
            %parallel_loop3A_212 = vector.broadcast %parallel_loop3A_211 : i32 to vector<16xi32>
            %parallel_loop3A_213 = arith.cmpi sgt, %parallel_loop3A_113, %parallel_loop3A_212 : vector<16xi32>
            %parallel_loop3A_214 = arith.constant 0.000000e+00 : f32
            %parallel_loop3A_215 = vector.broadcast %parallel_loop3A_214 : f32 to vector<16xf32>
            %parallel_loop3A_216 = arith.select %parallel_loop3A_213, %parallel_loop3A_210, %parallel_loop3A_215 : vector<16xi1>, vector<16xf32>
            %parallel_loop3A_217 = arith.addf %parallel_loop3A_169, %parallel_loop3A_216 : vector<16xf32>
            %parallel_loop3A_218 = arith.constant 8 : i32
            %parallel_loop3A_219 = arith.index_cast %parallel_loop3A_218 : i32 to index
            %parallel_loop3A_220 = arith.index_cast %parallel_loop3A_111 : i32 to index
            %parallel_loop3A_221 = tpu.vector_load %arg8[%parallel_loop3A_219, %parallel_loop3A_220] {strides = array<i32>} : memref<16x400xi32, #tpu.memory_space<vmem>>, vector<16xi32>,
            %parallel_loop3A_222 = tpu.vector_load_idx %arg6[%parallel_loop3A_221] : memref<100000xf32, #tpu.memory_space<vmem>>[vector<16xi32>], vector<16xf32>,
            %parallel_loop3A_223 = arith.constant 8 : i32
            %parallel_loop3A_224 = vector.broadcast %parallel_loop3A_223 : i32 to vector<16xi32>
            %parallel_loop3A_225 = arith.cmpi sgt, %parallel_loop3A_113, %parallel_loop3A_224 : vector<16xi32>
            %parallel_loop3A_226 = arith.constant 0.000000e+00 : f32
            %parallel_loop3A_227 = vector.broadcast %parallel_loop3A_226 : f32 to vector<16xf32>
            %parallel_loop3A_228 = arith.select %parallel_loop3A_225, %parallel_loop3A_222, %parallel_loop3A_227 : vector<16xi1>, vector<16xf32>
            %parallel_loop3A_229 = arith.addf %parallel_loop3A_181, %parallel_loop3A_228 : vector<16xf32>
            %parallel_loop3A_230 = arith.constant 9 : i32
            %parallel_loop3A_231 = arith.index_cast %parallel_loop3A_230 : i32 to index
            %parallel_loop3A_232 = arith.index_cast %parallel_loop3A_111 : i32 to index
            %parallel_loop3A_233 = tpu.vector_load %arg8[%parallel_loop3A_231, %parallel_loop3A_232] {strides = array<i32>} : memref<16x400xi32, #tpu.memory_space<vmem>>, vector<16xi32>,
            %parallel_loop3A_234 = tpu.vector_load_idx %arg6[%parallel_loop3A_233] : memref<100000xf32, #tpu.memory_space<vmem>>[vector<16xi32>], vector<16xf32>,
            %parallel_loop3A_235 = arith.constant 9 : i32
            %parallel_loop3A_236 = vector.broadcast %parallel_loop3A_235 : i32 to vector<16xi32>
            %parallel_loop3A_237 = arith.cmpi sgt, %parallel_loop3A_113, %parallel_loop3A_236 : vector<16xi32>
            %parallel_loop3A_238 = arith.constant 0.000000e+00 : f32
            %parallel_loop3A_239 = vector.broadcast %parallel_loop3A_238 : f32 to vector<16xf32>
            %parallel_loop3A_240 = arith.select %parallel_loop3A_237, %parallel_loop3A_234, %parallel_loop3A_239 : vector<16xi1>, vector<16xf32>
            %parallel_loop3A_241 = arith.addf %parallel_loop3A_193, %parallel_loop3A_240 : vector<16xf32>
            %parallel_loop3A_242 = arith.constant 10 : i32
            %parallel_loop3A_243 = arith.index_cast %parallel_loop3A_242 : i32 to index
            %parallel_loop3A_244 = arith.index_cast %parallel_loop3A_111 : i32 to index
            %parallel_loop3A_245 = tpu.vector_load %arg8[%parallel_loop3A_243, %parallel_loop3A_244] {strides = array<i32>} : memref<16x400xi32, #tpu.memory_space<vmem>>, vector<16xi32>,
            %parallel_loop3A_246 = tpu.vector_load_idx %arg6[%parallel_loop3A_245] : memref<100000xf32, #tpu.memory_space<vmem>>[vector<16xi32>], vector<16xf32>,
            %parallel_loop3A_247 = arith.constant 10 : i32
            %parallel_loop3A_248 = vector.broadcast %parallel_loop3A_247 : i32 to vector<16xi32>
            %parallel_loop3A_249 = arith.cmpi sgt, %parallel_loop3A_113, %parallel_loop3A_248 : vector<16xi32>
            %parallel_loop3A_250 = arith.constant 0.000000e+00 : f32
            %parallel_loop3A_251 = vector.broadcast %parallel_loop3A_250 : f32 to vector<16xf32>
            %parallel_loop3A_252 = arith.select %parallel_loop3A_249, %parallel_loop3A_246, %parallel_loop3A_251 : vector<16xi1>, vector<16xf32>
            %parallel_loop3A_253 = arith.addf %parallel_loop3A_205, %parallel_loop3A_252 : vector<16xf32>
            %parallel_loop3A_254 = arith.constant 11 : i32
            %parallel_loop3A_255 = arith.index_cast %parallel_loop3A_254 : i32 to index
            %parallel_loop3A_256 = arith.index_cast %parallel_loop3A_111 : i32 to index
            %parallel_loop3A_257 = tpu.vector_load %arg8[%parallel_loop3A_255, %parallel_loop3A_256] {strides = array<i32>} : memref<16x400xi32, #tpu.memory_space<vmem>>, vector<16xi32>,
            %parallel_loop3A_258 = tpu.vector_load_idx %arg6[%parallel_loop3A_257] : memref<100000xf32, #tpu.memory_space<vmem>>[vector<16xi32>], vector<16xf32>,
            %parallel_loop3A_259 = arith.constant 11 : i32
            %parallel_loop3A_260 = vector.broadcast %parallel_loop3A_259 : i32 to vector<16xi32>
            %parallel_loop3A_261 = arith.cmpi sgt, %parallel_loop3A_113, %parallel_loop3A_260 : vector<16xi32>
            %parallel_loop3A_262 = arith.constant 0.000000e+00 : f32
            %parallel_loop3A_263 = vector.broadcast %parallel_loop3A_262 : f32 to vector<16xf32>
            %parallel_loop3A_264 = arith.select %parallel_loop3A_261, %parallel_loop3A_258, %parallel_loop3A_263 : vector<16xi1>, vector<16xf32>
            %parallel_loop3A_265 = arith.addf %parallel_loop3A_217, %parallel_loop3A_264 : vector<16xf32>
            %parallel_loop3A_266 = arith.constant 12 : i32
            %parallel_loop3A_267 = arith.index_cast %parallel_loop3A_266 : i32 to index
            %parallel_loop3A_268 = arith.index_cast %parallel_loop3A_111 : i32 to index
            %parallel_loop3A_269 = tpu.vector_load %arg8[%parallel_loop3A_267, %parallel_loop3A_268] {strides = array<i32>} : memref<16x400xi32, #tpu.memory_space<vmem>>, vector<16xi32>,
            %parallel_loop3A_270 = tpu.vector_load_idx %arg6[%parallel_loop3A_269] : memref<100000xf32, #tpu.memory_space<vmem>>[vector<16xi32>], vector<16xf32>,
            %parallel_loop3A_271 = arith.constant 12 : i32
            %parallel_loop3A_272 = vector.broadcast %parallel_loop3A_271 : i32 to vector<16xi32>
            %parallel_loop3A_273 = arith.cmpi sgt, %parallel_loop3A_113, %parallel_loop3A_272 : vector<16xi32>
            %parallel_loop3A_274 = arith.constant 0.000000e+00 : f32
            %parallel_loop3A_275 = vector.broadcast %parallel_loop3A_274 : f32 to vector<16xf32>
            %parallel_loop3A_276 = arith.select %parallel_loop3A_273, %parallel_loop3A_270, %parallel_loop3A_275 : vector<16xi1>, vector<16xf32>
            %parallel_loop3A_277 = arith.addf %parallel_loop3A_229, %parallel_loop3A_276 : vector<16xf32>
            %parallel_loop3A_278 = arith.constant 13 : i32
            %parallel_loop3A_279 = arith.index_cast %parallel_loop3A_278 : i32 to index
            %parallel_loop3A_280 = arith.index_cast %parallel_loop3A_111 : i32 to index
            %parallel_loop3A_281 = tpu.vector_load %arg8[%parallel_loop3A_279, %parallel_loop3A_280] {strides = array<i32>} : memref<16x400xi32, #tpu.memory_space<vmem>>, vector<16xi32>,
            %parallel_loop3A_282 = tpu.vector_load_idx %arg6[%parallel_loop3A_281] : memref<100000xf32, #tpu.memory_space<vmem>>[vector<16xi32>], vector<16xf32>,
            %parallel_loop3A_283 = arith.constant 13 : i32
            %parallel_loop3A_284 = vector.broadcast %parallel_loop3A_283 : i32 to vector<16xi32>
            %parallel_loop3A_285 = arith.cmpi sgt, %parallel_loop3A_113, %parallel_loop3A_284 : vector<16xi32>
            %parallel_loop3A_286 = arith.constant 0.000000e+00 : f32
            %parallel_loop3A_287 = vector.broadcast %parallel_loop3A_286 : f32 to vector<16xf32>
            %parallel_loop3A_288 = arith.select %parallel_loop3A_285, %parallel_loop3A_282, %parallel_loop3A_287 : vector<16xi1>, vector<16xf32>
            %parallel_loop3A_289 = arith.addf %parallel_loop3A_241, %parallel_loop3A_288 : vector<16xf32>
            %parallel_loop3A_290 = arith.constant 14 : i32
            %parallel_loop3A_291 = arith.index_cast %parallel_loop3A_290 : i32 to index
            %parallel_loop3A_292 = arith.index_cast %parallel_loop3A_111 : i32 to index
            %parallel_loop3A_293 = tpu.vector_load %arg8[%parallel_loop3A_291, %parallel_loop3A_292] {strides = array<i32>} : memref<16x400xi32, #tpu.memory_space<vmem>>, vector<16xi32>,
            %parallel_loop3A_294 = tpu.vector_load_idx %arg6[%parallel_loop3A_293] : memref<100000xf32, #tpu.memory_space<vmem>>[vector<16xi32>], vector<16xf32>,
            %parallel_loop3A_295 = arith.constant 14 : i32
            %parallel_loop3A_296 = vector.broadcast %parallel_loop3A_295 : i32 to vector<16xi32>
            %parallel_loop3A_297 = arith.cmpi sgt, %parallel_loop3A_113, %parallel_loop3A_296 : vector<16xi32>
            %parallel_loop3A_298 = arith.constant 0.000000e+00 : f32
            %parallel_loop3A_299 = vector.broadcast %parallel_loop3A_298 : f32 to vector<16xf32>
            %parallel_loop3A_300 = arith.select %parallel_loop3A_297, %parallel_loop3A_294, %parallel_loop3A_299 : vector<16xi1>, vector<16xf32>
            %parallel_loop3A_301 = arith.addf %parallel_loop3A_253, %parallel_loop3A_300 : vector<16xf32>
            %parallel_loop3A_302 = arith.constant 15 : i32
            %parallel_loop3A_303 = arith.index_cast %parallel_loop3A_302 : i32 to index
            %parallel_loop3A_304 = arith.index_cast %parallel_loop3A_111 : i32 to index
            %parallel_loop3A_305 = tpu.vector_load %arg8[%parallel_loop3A_303, %parallel_loop3A_304] {strides = array<i32>} : memref<16x400xi32, #tpu.memory_space<vmem>>, vector<16xi32>,
            %parallel_loop3A_306 = tpu.vector_load_idx %arg6[%parallel_loop3A_305] : memref<100000xf32, #tpu.memory_space<vmem>>[vector<16xi32>], vector<16xf32>,
            %parallel_loop3A_307 = arith.constant 15 : i32
            %parallel_loop3A_308 = vector.broadcast %parallel_loop3A_307 : i32 to vector<16xi32>
            %parallel_loop3A_309 = arith.cmpi sgt, %parallel_loop3A_113, %parallel_loop3A_308 : vector<16xi32>
            %parallel_loop3A_310 = arith.constant 0.000000e+00 : f32
            %parallel_loop3A_311 = vector.broadcast %parallel_loop3A_310 : f32 to vector<16xf32>
            %parallel_loop3A_312 = arith.select %parallel_loop3A_309, %parallel_loop3A_306, %parallel_loop3A_311 : vector<16xi1>, vector<16xf32>
            %parallel_loop3A_313 = arith.addf %parallel_loop3A_265, %parallel_loop3A_312 : vector<16xf32>
            %parallel_loop3A_314 = arith.addf %parallel_loop3A_277, %parallel_loop3A_289 : vector<16xf32>
            %parallel_loop3A_315 = arith.addf %parallel_loop3A_301, %parallel_loop3A_313 : vector<16xf32>
            %parallel_loop3A_316 = arith.addf %parallel_loop3A_314, %parallel_loop3A_315 : vector<16xf32>
            %parallel_loop3A_317 = arith.constant 400 : i32
            %parallel_loop3A_318 = arith.muli %scan3A_65, %parallel_loop3A_317 : i32
            %parallel_loop3A_319 = arith.addi %mul3A_39, %parallel_loop3A_318 : i32
            %parallel_loop3A_320 = arith.addi %parallel_loop3A_319, %parallel_loop3A_111 : i32
            %parallel_loop3A_321 = arith.index_cast %parallel_loop3A_320 : i32 to index
            %parallel_loop3A_322 = tpu.vector_load %arg6[%parallel_loop3A_321] {strides = array<i32>} : memref<100000xf32, #tpu.memory_space<vmem>>, vector<16xf32>,
            %parallel_loop3A_323 = arith.sitofp %parallel_loop3A_113 : vector<16xi32> to vector<16xf32>
            %parallel_loop3A_324 = arith.divf %parallel_loop3A_316, %parallel_loop3A_323 : vector<16xf32>
            %parallel_loop3A_325 = arith.subf %parallel_loop3A_324, %parallel_loop3A_322 : vector<16xf32>
            %parallel_loop3A_326 = arith.mulf %parallel_loop3A_325, %parallel_loop3A_325 : vector<16xf32>
            %parallel_loop3A_327 = arith.addf %parallel_loop3A_109, %parallel_loop3A_326 : vector<16xf32>
            scf.yield %parallel_loop3A_327 : vector<16xf32>
          } {sc.loop_unroll_factor = 1 : i64, sc.parallel_access}
          scf.yield %parallel_loop3A_107 : vector<16xf32>
        }
        scf.yield %cond3A_88 : vector<16xf32>
      }
      %scan3A_63 = arith.constant 25 : i32
      %swap3A = arith.constant 0 : index
      %swap3A_64 = tpu.vector_load %arg11[%swap3A] {strides = array<i32>} : memref<16xf32, #tpu.memory_space<vmem>>, vector<16xf32>,
      tpu.vector_store %arg11[%swap3A], %scan3A_62 {strides = array<i32>} : memref<16xf32, #tpu.memory_space<vmem>>, vector<16xf32>,
    } else {
    }
    %not3A = arith.constant true
    %not3A_3 = arith.xori %lt3A_1, %not3A : i1
    %convert_element_type3A_4 = arith.extui %not3A_3 : i1 to i32
    %cond3A_5 = arith.constant 0 : i32
    %cond3A_6 = arith.cmpi ne, %convert_element_type3A_4, %cond3A_5 : i32
    scf.if %cond3A_6 {
      %broadcast_in_dim3A = arith.constant 0.000000e+00 : f32
      %broadcast_in_dim3A_7 = vector.broadcast %broadcast_in_dim3A : f32 to vector<16xf32>
      %swap3A = arith.constant 0 : index
      %swap3A_8 = tpu.vector_load %arg11[%swap3A] {strides = array<i32>} : memref<16xf32, #tpu.memory_space<vmem>>, vector<16xf32>,
      tpu.vector_store %arg11[%swap3A], %broadcast_in_dim3A_7 {strides = array<i32>} : memref<16xf32, #tpu.memory_space<vmem>>, vector<16xf32>,
    } else {
    }
    "tpu.region"() ({
      %run_scoped3A = tpu.sem_alloc : memref<!tpu.dma_semaphore, #tpu.memory_space<semaphore_mem>>
      %dma_start3A = arith.constant 0 : i32
      %dma_start3A_7 = tpu.memref_slice %arg5[%add3A, %dma_start3A] : memref<32x16xf32, #tpu.memory_space<hbm>> -> memref<1x16xf32, #tpu.memory_space<hbm>>
      %dma_start3A_8 = tpu.memref_squeeze %dma_start3A_7 : memref<1x16xf32, #tpu.memory_space<hbm>> -> memref<16xf32, #tpu.memory_space<hbm>>
      %dma_start3A_9 = arith.constant 0 : i32
      %dma_start3A_10 = tpu.memref_slice %arg5[%add3A, %dma_start3A_9] : memref<32x16xf32, #tpu.memory_space<hbm>> -> memref<1x16xf32, #tpu.memory_space<hbm>>
      %dma_start3A_11 = tpu.memref_squeeze %dma_start3A_10 : memref<1x16xf32, #tpu.memory_space<hbm>> -> memref<16xf32, #tpu.memory_space<hbm>>
      tpu.enqueue_dma source(%arg11 : memref<16xf32, #tpu.memory_space<vmem>>) target(%dma_start3A_11 : memref<16xf32, #tpu.memory_space<hbm>>) target_semaphore(%run_scoped3A : memref<!tpu.dma_semaphore, #tpu.memory_space<semaphore_mem>>)
      %dma_wait3A = arith.constant 0 : i32
      %dma_wait3A_12 = tpu.memref_slice %arg5[%add3A, %dma_wait3A] : memref<32x16xf32, #tpu.memory_space<hbm>> -> memref<1x16xf32, #tpu.memory_space<hbm>>
      %dma_wait3A_13 = tpu.memref_squeeze %dma_wait3A_12 : memref<1x16xf32, #tpu.memory_space<hbm>> -> memref<16xf32, #tpu.memory_space<hbm>>
      %dma_wait3A_14 = arith.constant 0 : i32
      %dma_wait3A_15 = tpu.memref_slice %arg5[%add3A, %dma_wait3A_14] : memref<32x16xf32, #tpu.memory_space<hbm>> -> memref<1x16xf32, #tpu.memory_space<hbm>>
      %dma_wait3A_16 = tpu.memref_squeeze %dma_wait3A_15 : memref<1x16xf32, #tpu.memory_space<hbm>> -> memref<16xf32, #tpu.memory_space<hbm>>
      tpu.wait_dma2 semaphore(%run_scoped3A : memref<!tpu.dma_semaphore, #tpu.memory_space<semaphore_mem>>) src(%arg11 : memref<16xf32, #tpu.memory_space<vmem>>) dst(%dma_wait3A_16 : memref<16xf32, #tpu.memory_space<hbm>>)
      tpu.yield
    }) : () -> ()
    return
  }
}

</mosaic_0001>

<sc_bundles>
// kernel: kernel.3.cloned.1.call-start
scs
__scs_entry_jumppad:
0x0: {  	(pc) =	sbr.rel $0x88, $3  }
0x1: {  	(tag) =	ssettag $0x0;
	lr =	simm.s32 $0x1  }
0x2: {  	[smem:$0x3F9E] =	sst lr;
	_ =	strace $0xD0000000  }
0x3: {  	_ = 	snop  }
0x4: {  	_ = 	snop  }
0x5: {  	_ = 	snop  }
0x6: {  	_ = 	snop  }
0x7: {  	_ = 	snop  }
__scs_overlays_trampoline_lowered:
0x8: {  	[smem:$0x3FAD] =	sst s0  }
0x9: {  	[smem:$0x3FAE] =	sst s1  }
0xa: {  	[smem:$0x3FAF] =	sst s2  }
0xb: {  	[smem:$0x3FB0] =	sst s3  }
0xc: {  	[smem:$0x3FB1] =	sst s4  }
0xd: {  	[smem:$0x3FB2] =	sst s5  }
0xe: {  	[smem:$0x3FB3] =	sst s6  }
0xf: {  	[smem:$0x3FB4] =	sst s7  }
0x10: {  	[smem:$0x3FB5] =	sst s8  }
0x11: {  	[smem:$0x3FB6] =	sst s9;
	s0 =	simm.s32 @!p0 $0x0  }
0x12: {  	s1 =	sld [smem:$0x3F9C];
	s0 =	simm.s32 @p0 $0x1  }
0x13: {  	[smem:$0x3FB7] =	sst s0;
	s0 =	simm.s32 @!p1 $0x0  }
0x14: {  	s2 =	sld [smem:$0x3F9B];
	s0 =	simm.s32 @p1 $0x1  }
0x15: {  	[smem:$0x3FB8] =	sst s0;
	s0 =	simm.s32 @!p2 $0x0  }
0x16: {  	s3 =	sld [smem:$0x3FDB];
	s0 =	simm.s32 @p2 $0x1  }
0x17: {  	s4 =	simm.s32 $0x1BF5;
	[smem:$0x3FBA] =	sst s0  }
0x18: {  	s0 =	sld [smem:$0x3F9D];
	_ =	swait.ge [sflag:s4], $0x0  }
0x19: {  	s7 =	sld [smem:$0x3F9E]  }
0x1a: {  	s8 =	sadd.s32 $0xFFFFE003, lr  }
0x1b: {  	s9 =	sadd.s32 $0xFFFFFEF7, lr;
	s5 =	simm.s32 $0xFFFFFFFF;
	p2 =	slt.u32 s8, $0xFFFFF086  }
0x1c: {  	p1 =	slt.u32 s9, $0xF7A;
	s5 =	simm.s32 @!p2 $0x0  }
0x1d: {  	s5 =	simm.s32 @p1 $0x1;
	p0 =	seq.s32 s7, s2  }
0x1e: {  	s7 =	smul.u32 @!p0 $0xF7A, s2;
	p2 =	seq.s32 @!p0 s5, $0x0  }
0x1f: {  	s9 =	smul.u32 $0xF7A, s1;
	s8 =	simm.s32 @!p0 $0x1BF5;
	p2 =	por !p2, p0  }
0x20: {  	[sflag:s8] =	ssyncset.s32 @!p0 $0xFFFFF086;
	s6 =	sadd.s32 @!p0 s3, s7;
	s7 =	simm.s32 @!p0 $0x108  }
0x21: {  	s3 =	sadd.s32 s3, s9;
	s6 =	sadd.s32 @!p0 $0x88, s6;
	s7 =	simm.s32 @p2 $0x1082  }
0x22: {  	[simem:s7], [sflag:s8] =	dma.local @!p0 [hbm:s6], $0xF7A  }
0x23: {  	s9 =	sor.u32 $0xD0000000, s2;
	s6 =	simm.s32 $0x108;
	_ =	swait.ge @!p0 [sflag:s8], $0x0  }
0x24: {  	s3 =	sadd.s32 $0x88, s3;
	s6 =	simm.s32 @!p1 $0x1082;
	[sflag:s4] =	ssyncset.s32 $0xFFFFF086  }
0x25: {  	[simem:s6], [sflag:s4] =	dma.local [hbm:s3], $0xF7A  }
0x26: {  	[smem:$0x3F9E] =	sst s1;
	(tag) =	ssettag s2;
	_ =	strace s9  }
0x27: {  	s1 =	sld [smem:$0x3FAE]  }
0x28: {  	s2 =	sld [smem:$0x3FAF]  }
0x29: {  	s4 =	sld [smem:$0x3FB1]  }
0x2a: {  	p0 =	seq.s32 s5, $0x0;
	s5 =	sld [smem:$0x3FB2]  }
0x2b: {  	s6 =	sld [smem:$0x3FB3]  }
0x2c: {  	s7 =	sld [smem:$0x3FB4]  }
0x2d: {  	s3 =	simm.s32 $0x108;
	s8 =	sld [smem:$0x3FB5]  }
0x2e: {  	s3 =	simm.s32 @!p0 $0x1082;
	s9 =	sld [smem:$0x3FB6]  }
0x2f: {  	lr =	sadd.s32 s0, s3;
	s0 =	sld [smem:$0x3FAD]  }
0x30: {  	s3 =	sld [smem:$0x3FB0]  }
0x31: {  	[smem:$0x3FB9] =	sst s10  }
0x32: {  	s10 =	sld [smem:$0x3FB7];
	_ =	sdelay $0x3  }
0x33: {  	p0 =	seq.s32 s10, $0x1;
	s10 =	sld [smem:$0x3FB9];
	_ =	sdelay $0x3  }
0x34: {  	[smem:$0x3FB9] =	sst s10  }
0x35: {  	s10 =	sld [smem:$0x3FB8];
	_ =	sdelay $0x3  }
0x36: {  	p1 =	seq.s32 s10, $0x1;
	s10 =	sld [smem:$0x3FB9];
	_ =	sdelay $0x3  }
0x37: {  	[smem:$0x3FB9] =	sst s10  }
0x38: {  	s10 =	sld [smem:$0x3FBA]  }
0x39: {  	_ = 	snop;
	(pc) =	sbr.ind lr, $3  }
0x3a: {  	_ = 	snop  }
0x3b: {  	_ = 	snop  }
0x3c: {  	p2 =	seq.s32 s10, $0x1;
	s10 =	sld [smem:$0x3FB9]  }
0x3d: {  	_ =	shalt  }
0x3e: {  	_ =	shalt  }
0x3f: {  	_ =	shalt  }
0x40: {  	_ =	shalt  }
0x41: {  	_ =	shalt  }
0x42: {  	_ =	shalt  }
0x43: {  	_ =	shalt  }
0x44: {  	_ =	shalt  }
0x45: {  	_ =	shalt  }
0x46: {  	_ =	shalt  }
0x47: {  	_ =	shalt  }
0x48: {  	_ =	shalt  }
0x49: {  	_ =	shalt  }
0x4a: {  	_ =	shalt  }
0x4b: {  	_ =	shalt  }
0x4c: {  	_ =	shalt  }
0x4d: {  	_ =	shalt  }
0x4e: {  	_ =	shalt  }
0x4f: {  	_ =	shalt  }
0x50: {  	_ =	shalt  }
0x51: {  	_ =	shalt  }
0x52: {  	_ =	shalt  }
0x53: {  	_ =	shalt  }
0x54: {  	_ =	shalt  }
0x55: {  	_ =	shalt  }
0x56: {  	_ =	shalt  }
0x57: {  	_ =	shalt  }
0x58: {  	_ =	shalt  }
0x59: {  	_ =	shalt  }
0x5a: {  	_ =	shalt  }
0x5b: {  	_ =	shalt  }
0x5c: {  	_ =	shalt  }
0x5d: {  	_ =	shalt  }
0x5e: {  	_ =	shalt  }
0x5f: {  	_ =	shalt  }
0x60: {  	_ =	shalt  }
0x61: {  	_ =	shalt  }
0x62: {  	_ =	shalt  }
0x63: {  	_ =	shalt  }
0x64: {  	_ =	shalt  }
0x65: {  	_ =	shalt  }
0x66: {  	_ =	shalt  }
0x67: {  	_ =	shalt  }
0x68: {  	_ =	shalt  }
0x69: {  	_ =	shalt  }
0x6a: {  	_ =	shalt  }
0x6b: {  	_ =	shalt  }
0x6c: {  	_ =	shalt  }
0x6d: {  	_ =	shalt  }
0x6e: {  	_ =	shalt  }
0x6f: {  	_ =	shalt  }
0x70: {  	_ =	shalt  }
0x71: {  	_ =	shalt  }
0x72: {  	_ =	shalt  }
0x73: {  	_ =	shalt  }
0x74: {  	_ =	shalt  }
0x75: {  	_ =	shalt  }
0x76: {  	_ =	shalt  }
0x77: {  	_ =	shalt  }
0x78: {  	_ =	shalt  }
0x79: {  	_ =	shalt  }
0x7a: {  	_ =	shalt  }
0x7b: {  	_ =	shalt  }
0x7c: {  	_ =	shalt  }
0x7d: {  	_ =	shalt  }
0x7e: {  	_ =	shalt  }
0x7f: {  	_ =	shalt  }
0x80: {  	_ =	shalt  }
0x81: {  	_ =	shalt  }
0x82: {  	_ =	shalt  }
0x83: {  	_ =	shalt  }
0x84: {  	_ =	shalt  }
0x85: {  	_ =	shalt  }
0x86: {  	_ =	shalt  }
0x87: {  	_ =	shalt  }
.Lfunc_end0:
.L_simem_size_0:
called_computation_lowered:
.L_overlay_start_0:
0x88: {  	s2 =	sld [smem:$0x3FD9]  }
0x89: {  	s3 =	sld [smem:$0x3FFE];
	_ =	sdelay $0x1  }
0x8a: {  	s1 =	srdreg.scid  }
0x8b: {  	s0 =	sand.u32 $0x1, s1  }
0x8c: {  	s17 =	sshll.u32 s0, $0xA;
	s2 =	sadd.s32 s3, s2  }
0x8d: {  	s2 =	sadd.s32 s2, s17  }
0x8e: {  	[smem:$0x3FC5] =	sst s2  }
0x8f: {  	_ = 	snop  }
0x90: {  	s2 =	sld [smem:$0x3FC7];
	(tm) =	ssettm $0x1  }
0x91: {  	s18 =	sld [smem:$0x3FFB];
	_ =	sdelay $0x3  }
0x92: {  	_ =	strace s18  }
0x93: {  	s3 =	sld [smem:$0x3FFC];
	_ =	sdelay $0x3  }
0x94: {  	_ =	strace s3  }
0x95: {  	s3 =	sld [smem:$0x3FFD];
	_ =	sdelay $0x3  }
0x96: {  	_ =	strace s3  }
0x97: {  	_ =	strace $0x8FFFFFFF  }
0x98: {  	s19 =	sld [smem:$0x3FDB];
	_ =	sdelay $0x1  }
0x99: {  	s4 =	simm.s32 $_scs_section_size  }
0x9a: {  	s5 =	simm.s32 $_size__tile_overlayer_lowered;
	s6 =	simm.s32 $_tile_overlayer_lowered  }
0x9b: {  	s22 =	simm.s32 $0x1BFF;
	s21 =	sshll.u32 s6, $0x1;
	s3 =	sadd.s32 s4, s19  }
0x9c: {  	s7 =	simm.s32 $0x0;
	s20 =	sshll.u32 s5, $0x1;
	s5 =	sadd.s32 s21, s3  }
0x9d: {  	[timem:s7], [sflag:s22] =	dma.local [hbm:s5], s20  }
0x9e: {  	_ =	swait.ge [sflag:s22], s20  }
0x9f: {  	s4 =	ssub.s32 $0x0, s20;
	[sflag:s22] =	ssyncset.done $0x0  }
0xa0: {  	[sflag:s22] =	ssyncadd.s32 s4;
	_ =	sdelay $0x1  }
0xa1: {  	s23 =	simm.s32 $0x1B8B  }
0xa2: {  	_ =	swait.ge [sflag:s23], $0x1  }
0xa3: {  	[sflag:s23] =	ssyncset.done $0x0  }
0xa4: {  	s25 =	simm.s32 $0x1B8E;
	s24 =	sld [smem:$0x3FFE];
	[sflag:s23] =	ssyncadd.s32 $0xFFFFFFFF  }
0xa5: {  	s26 =	simm.s32 $execute0_lowered;
	[smem:$0x3FD2] =	sst s25  }
0xa6: {  	s5 =	sshll.u32 s26, $0x1;
	_ =	strace $0x80000046;
	[dreg:$0x1] =	wrdreg $0xFFFFFFFF  }
0xa7: {  	s28 =	simm.s32 $_size_execute0_lowered;
	s3 =	sadd.s32 s3, s5;
	[dreg:$0x0] =	wrdreg $0x0  }
0xa8: {  	s5 =	sshll.u32 s28, $0x1;
	[dreg:$0x2] =	wrdreg s3  }
0xa9: {  	[dreg:$0x3] =	wrdreg s5  }
0xaa: {  	[dreg:$0x4] =	wrdreg $0xC0  }
0xab: {  	_ =	task [dreg:s7], $0x5FFFF  }
0xac: {  	[dreg:$0x1] =	wrdreg $0xFFFFFFFF  }
0xad: {  	[dreg:$0x0] =	wrdreg $0x60  }
0xae: {  	[dreg:$0x2] =	wrdreg s24  }
0xaf: {  	[dreg:$0x3] =	wrdreg s2  }
0xb0: {  	[dreg:$0x4] =	wrdreg $0x9  }
0xb1: {  	_ =	task.clear_ibuf [dreg:s7], $0x5FFFF;
	_ =	strace $0x90000046  }
0xb2: {  	s29 =	simm.s32 $0x9;
	_ =	strace $0x80000048  }
0xb3: {  	_ =	swait.ge [sflag:s29], $0x1  }
0xb4: {  	[sflag:s29] =	ssyncadd.s32 $0xFFFFFFFF  }
0xb5: {  	_ =	strace $0x90000048  }
0xb6: {  	_ =	sfence  }
0xb7: {  	s30 =	sld [smem:$0x0];
	_ =	sdelay $0x2  }
0xb8: {  	s31 =	sshll.u32 s1, $0xD;
	s1 =	sshrl.u32 s1, $0x2  }
0xb9: {  	s3 =	sand.u32 $0x4000, s31;
	s1 =	sadd.s32 s1, s30  }
0xba: {  	s0 =	sor.u32 s3, s0;
	s1 =	sshll.u32 s1, $0x11  }
0xbb: {  	s0 =	sor.u32 s1, s0  }
0xbc: {  	s0 =	sadd.s32 $0x8F2B, s0  }
0xbd: {  	[sflag:s0] =	ssyncadd.remote.s32 $0x1  }
0xbe: {  	_ =	sfence.sel $0xFFFF  }
0xbf: {  	[dreg:$0x0] =	wrdreg $0xFFFFFFFF;
	(pc) =	sbr.abs _section_cstart, $3  }
0xc0: {  	[dreg:$0x1] =	wrdreg $0xFFFFFFFF  }
0xc1: {  	_ =	task.clear_ibuf [dreg:s7], $0x2FFFF;
	_ =	strace $0x9FFFFFFF  }
0xc2: {  	(tm) =	ssettm $0x7FFFFFFF  }
0xc3: {  	_ =	shalt  }
tec
execute0_lowered:
.L_overlay_start_1:
0x0: {  	(tag) =	ssettag $0x1  }
0x1: {  	s1 =	srdreg.scid;
	s0 =	stileid.u32  }
0x2: {  	s7 =	rddreg [dreg:$0x0];
	s5 =	sand.u32 $0x1, s1;
	s30 =	sshll.u32 s0, $0x1  }
0x3: {  	s2 =	rddreg [dreg:$0x1];
	s6 =	sor.u32 s5, s30  }
0x4: {  	s3 =	simm.s32 $0x0;
	s14 =	simm.s32 $0x4;
	s1 =	smul.u32 $0x1A, s6  }
0x5: {  	s15 =	simm.s32 $0x190;
	s16 =	simm.s32 $0x186A0;
	s17 =	simm.s32 $0x1B8A0  }
0x6: {  	s18 =	simm.s32 $0x1;
	s9 =	smul.u32 $0x34, s0;
	s1 =	sshrl.u32 s1, $0x8  }
0x7: {  	s19 =	simm.s32 $0x2;
	s20 =	simm.s32 $0x3;
	s4 =	smul.u32 $0xA, s1  }
0x8: {  	s21 =	simm.s32 $0x0;
	[smem:$0x7FF] =	sst s3;
	s10 =	ssub.s32 $0x2, s5  }
0x9: {  	s9 =	sshrl.u32 s9, $0x8;
	s11 =	sshrl.u32 s10, $0x1;
	s8 =	ssub.s32 s6, s4  }
0xa: {  	s9 =	smul.u32 $0x30D4, s9;
	s11 =	ssub.s32 s10, s11;
	s8 =	sand.u32 $0xFF, s8  }
0xb: {  	p0 =	seq.s32 s0, $0xF;
	s11 =	smax.u32 s11, $0x1;
	s5 =	smul.u32 $0x2710, s8  }
.Ltmp0:
0xc: {  	s1 =	rddreg [dreg:$0x2];
	s6 =	sshll.u32 s6, $0x1;
	(pc) =	sbr.rel .LBB2_1-.Ltmp0, $4  }
0xd: {  	_ =	strace $0x80000047;
	s12 =	sadd.s32 s6, s7;
	s13 =	smul.u32 $0x9C40, s8  }
0xe: {  	s4 =	sadd.s32 $0x9400, s7;
	s6 =	sadd.s32 s7, s9;
	s10 =	sadd.s32 $0x3A200, s12  }
0xf: {  	s31 =	sshrl.u32 s5, $0x3;
	s9 =	sadd.s32 $0x190, s5;
	s12 =	sshrl.u32 s13, $0x2  }
0x10: {  	s13 =	simm.s32 $0x1BBC0;
	s7 =	sadd.s32 s4, s31;
	s8 =	sadd.s32 s2, s31  }
.LBB2_11:
0x11: {  	s21 =	sadd.s32 $0x1, s21  }
0x12: {  	p1 =	sne.s32 s21, s11  }
.Ltmp1:
0x13: {  	[tilespmem:$0x1BBC0] =	vst v0;
	(pc) =	sbr.rel @!p1 .LBB2_12-.Ltmp1, $4  }
0x14: {  	[hbm4b:s10+s3] =	stream.linear.scatter [tilespmem:s13], [sflag:$0x4], $0x10, $0x38;
	[tilespmem:$0x1BBD0] =	vst v63  }
0x15: {  	_ =	swait.ge [sflag:s14], $0x10  }
0x16: {  	[sflag:s14] =	ssyncset.done $0x0  }
0x17: {  	[sflag:s14] =	ssyncadd.s32 $0xFFFFFFF0  }
.LBB2_1:
.Ltmp2:
0x18: {  	(pc) =	sbr.rel @p0 .LBB2_11-.Ltmp2, $2  }
0x19: {  	_ =	sdelay $0x2  }
0x1a: {  	v0 =	vimm.f32 $0.0e+00  }
0x1b: {  	s22 =	simm.s32 $0x0  }
0x1c: {  	[tilespmem:s22], [sflag:$0x1] =	stream.linear.gather [hbm4b:s6+s22], $0x186A0, $0x38;
	[tilespmem:$0x1BBD0] =	vst v63  }
0x1d: {  	_ = 	snop  }
0x1e: {  	[tilespmem:s16], [sflag:$0x2] =	stream.strided.gather [hbm4b:s7+s15], $0x1900, s16, s15, $0x38;
	[tilespmem:$0x1BBD0] =	vst v63  }
.Ltmp3:
0x1f: {  	_ = 	snop;
	(pc) =	sbr.rel .LBB2_3-.Ltmp3, $4  }
0x20: {  	[tilespmem:s17], [sflag:$0x2] =	stream.linear.gather [hbm4b:s8+s22], $0x190, $0x38;
	[tilespmem:$0x1BBD0] =	vst v63  }
0x21: {  	_ =	swait.ge [sflag:s18], $0x186A0  }
0x22: {  	[sflag:s18] =	ssyncset.done $0x0  }
0x23: {  	v0 =	vimm.f32 $0.0e+00;
	s23 =	smov.u32 s12;
	[sflag:s18] =	ssyncadd.s32 $0xFFFE7960  }
.LBB2_9:
0x24: {  	_ =	sdelay $0x3  }
0x25: {  	v12 =	vld.idx.msk [tilespmem:v12+s3+$0x0], $0xffff  }
0x26: {  	v14 =	vld.idx.msk [tilespmem:v14+s3+$0x0], $0xffff  }
0x27: {  	v16 =	vld.idx.msk [tilespmem:v16+s3+$0x0], $0xffff  }
0x28: {  	v17 =	vld.idx.msk [tilespmem:v17+s3+$0x0], $0xffff  }
0x29: {  	v18 =	vld.idx.msk [tilespmem:v18+s3+$0x0], $0xffff  }
0x2a: {  	vm4 =	vgt.s32 v2, $0xC;
	vm5 =	vgt.s32 v2, $0xD;
	vm0 =	vgt.s32 v2, $0xE;
	v15 =	vld.idx.msk [tilespmem:v15+s3+$0x0], $0xffff  }
0x2b: {  	vm6 =	vgt.s32 v2, $0x8;
	vm7 =	vgt.s32 v2, $0x9;
	vm1 =	vgt.s32 v2, $0xF;
	v13 =	vld.idx.msk [tilespmem:v13+s3+$0x0], $0xffff  }
0x2c: {  	vm8 =	vgt.s32 v2, $0x0;
	vm3 =	vgt.s32 v2, $0xA;
	vm2 =	vgt.s32 v2, $0xB;
	v11 =	vld.idx.msk [tilespmem:v11+s3+$0x0], $0xffff  }
0x2d: {  	vm9 =	vgt.s32 v2, $0x1;
	vm10 =	vgt.s32 v2, $0x2;
	v19 =	vcvt.s32.f32 v2;
	v10 =	vld.idx.msk [tilespmem:v10+s3+$0x0], $0xffff  }
0x2e: {  	vm11 =	vgt.s32 v2, $0x3;
	vm12 =	vgt.s32 v2, $0x4;
	vm13 =	vgt.s32 v2, $0x5;
	v6 =	vld.idx.msk [tilespmem:v6+s3+$0x0], $0xffff  }
0x2f: {  	vm14 =	vgt.s32 v2, $0x6;
	vm15 =	vgt.s32 v2, $0x7;
	v2 =	vnsel vm6, $0x0, v9  }
0x30: {  	v7 =	vnsel vm4, $0x0, v7;
	(erf) = vrcp.f32 v19;
	v58 =	vadd.f32 $0.0e+00, v15  }
0x31: {  	v5 =	vld.idx.msk [tilespmem:v5+s3+$0x0], $0xffff;
	v14 =	vnsel vm12, $0x0, v14;
	v12 =	vnsel vm7, $0x0, v12;
	v13 =	vadd.f32 $0.0e+00, v13  }
0x32: {  	v4 =	vld.idx.msk [tilespmem:v4+s3+$0x0], $0xffff;
	v11 =	vadd.f32 $0.0e+00, v11;
	v59 =	vnsel vm13, $0x0, v16;
	v10 =	vadd.f32 $0.0e+00, v10  }
0x33: {  	v3 =	vld.idx.msk [tilespmem:v3+s3+$0x0], $0xffff;
	v60 =	vnsel vm14, $0x0, v17;
	v61 =	vnsel vm15, $0x0, v18;
	v6 =	vnsel vm3, $0x0, v6  }
0x34: {  	v9 =	vnsel vm8, $0x0, v58;
	v11 =	vnsel vm10, $0x0, v11;
	v10 =	vnsel vm11, $0x0, v10  }
0x35: {  	v13 =	vnsel vm9, $0x0, v13;
	v11 =	vadd.f32 v60, v11;
	v10 =	vadd.f32 v61, v10  }
0x36: {  	v5 =	vnsel vm2, $0x0, v5;
	v9 =	vadd.f32 v14, v9;
	v13 =	vadd.f32 v59, v13  }
0x37: {  	v4 =	vnsel vm0, $0x0, v4;
	v6 =	vadd.f32 v6, v11;
	v5 =	vadd.f32 v5, v10  }
0x38: {  	v3 =	vnsel vm1, $0x0, v3;
	v2 =	vadd.f32 v2, v9;
	v62 =	vadd.f32 v12, v13  }
0x39: {  	v8 =	vnsel vm5, $0x0, v8;
	v4 =	vadd.f32 v4, v6;
	v3 =	vadd.f32 v3, v5  }
0x3a: {  	v2 =	vadd.f32 v7, v2;
	v63 =	vadd.f32 v8, v62  }
0x3b: {  	v3 =	vadd.f32 v3, v4  }
0x3c: {  	v2 =	vadd.f32 v63, v2  }
0x3d: {  	v1 =	vld.idx.msk [tilespmem:v1+s24+$0x0 ss:$0x1], $0xffff  }
0x3e: {  	v2 =	vadd.f32 v3, v2  }
0x3f: {  	v3 =	vpop (erf)  }
0x40: {  	v2 =	vmul.f32 v2, v3;
	_ =	sdelay $0x1  }
0x41: {  	v1 =	vsub.f32 v2, v1;
	_ =	sdelay $0x1  }
0x42: {  	v1 =	vmul.f32 v1, v1;
	_ =	sdelay $0x1  }
0x43: {  	v0 =	vadd.f32 v1, v0  }
.LBB2_10:
0x44: {  	s22 =	sadd.s32 $0x1, s22  }
0x45: {  	p1 =	sne.s32 s22, $0x19  }
.Ltmp4:
0x46: {  	_ = 	snop;
	(pc) =	sbr.rel @!p1 .LBB2_11-.Ltmp4, $2  }
0x47: {  	_ =	sdelay $0x2  }
0x48: {  	s23 =	sadd.s32 $0x190, s23  }
.LBB2_3:
0x49: {  	s24 =	sand.u32 $0x1, s22  }
0x4a: {  	p1 =	seq.s32 s24, $0x1  }
.Ltmp5:
0x4b: {  	_ = 	snop;
	(pc) =	sbr.rel @p1 .LBB2_7-.Ltmp5, $1  }
0x4c: {  	_ =	sdelay $0x3  }
0x4d: {  	s24 =	sor.u32 $0x1, s22  }
0x4e: {  	p1 =	sgt.u32 s24, $0x18  }
0x4f: {  	s24 =	smul.u32 @!p1 $0x190, s24;
	_ =	sdelay $0x1  }
0x50: {  	s24 =	sadd.s32 @!p1 s5, s24  }
0x51: {  	s26 =	simm.s32 @!p1 $0x190;
	s24 =	sshrl.u32 @!p1 s24, $0x3  }
0x52: {  	s28 =	simm.s32 @!p1 $0x186A0;
	s29 =	simm.s32 @!p1 $0x19FA0;
	s25 =	sadd.s32 @!p1 s4, s24  }
0x53: {  	[tilespmem:s29], [sflag:$0x3] =	stream.strided.gather @!p1 [hbm4b:s25+s26], $0x1900, s28, s26, $0x38;
	[tilespmem:$0x1BBD0] =	vst v63  }
0x54: {  	s24 =	sadd.s32 @!p1 s2, s24;
	s25 =	simm.s32 @!p1 $0x0;
	s26 =	simm.s32 @!p1 $0x1BA30  }
0x55: {  	[tilespmem:s26], [sflag:$0x3] =	stream.linear.gather @!p1 [hbm4b:s24+s25], $0x190, $0x38;
	[tilespmem:$0x1BBD0] =	vst v63  }
0x56: {  	_ =	swait.ge [sflag:s19], $0x1900  }
0x57: {  	[sflag:s19] =	ssyncset.done $0x0  }
0x58: {  	[sflag:s19] =	ssyncadd.s32 $0xFFFFE700  }
0x59: {  	_ =	swait.ge [sflag:s19], $0x190  }
0x5a: {  	[sflag:s19] =	ssyncset.done $0x0  }
0x5b: {  	s24 =	simm.s32 $0x0;
	[sflag:s19] =	ssyncadd.s32 $0xFFFFFE70  }
0x5c: {  	v2 =	vld [tilespmem:s24+$0x1B8A0]  }
0x5d: {  	v1 =	vld [tilespmem:s24+$0x19960]  }
0x5e: {  	v8 =	vld [tilespmem:s24+$0x19AF0]  }
0x5f: {  	v4 =	vld [tilespmem:s24+$0x19C80]  }
0x60: {  	v3 =	vld [tilespmem:s24+$0x19E10]  }
0x61: {  	v9 =	vld [tilespmem:s24+$0x19320]  }
0x62: {  	v12 =	vld [tilespmem:s24+$0x194B0]  }
0x63: {  	v6 =	vld [tilespmem:s24+$0x19640]  }
0x64: {  	v5 =	vld [tilespmem:s24+$0x197D0]  }
0x65: {  	v14 =	vld [tilespmem:s24+$0x18CE0]  }
0x66: {  	v16 =	vld [tilespmem:s24+$0x18E70]  }
0x67: {  	v17 =	vld [tilespmem:s24+$0x19000]  }
0x68: {  	v18 =	vld [tilespmem:s24+$0x19190]  }
0x69: {  	v15 =	vld [tilespmem:s24+$0x186A0]  }
0x6a: {  	v13 =	vld [tilespmem:s24+$0x18830]  }
0x6b: {  	v11 =	vld [tilespmem:s24+$0x189C0]  }
0x6c: {  	v10 =	vld [tilespmem:s24+$0x18B50]  }
0x6d: {  	v7 =	vld.idx.msk [tilespmem:v1+s3+$0x0], $0xffff  }
0x6e: {  	v8 =	vld.idx.msk [tilespmem:v8+s3+$0x0], $0xffff  }
0x6f: {  	s25 =	simm.s32 $0x40;
	v1 =	vmov s23;
	v9 =	vld.idx.msk [tilespmem:v9+s3+$0x0], $0xffff  }
.LBB2_5:
0x70: {  	p1 =	seq.s32 s25, $0x600;
	v12 =	vld.idx.msk [tilespmem:v12+s3+$0x0], $0xffff  }
0x71: {  	v14 =	vld.idx.msk [tilespmem:v14+s3+$0x0], $0xffff  }
0x72: {  	v16 =	vld.idx.msk [tilespmem:v16+s3+$0x0], $0xffff  }
0x73: {  	v17 =	vld.idx.msk [tilespmem:v17+s3+$0x0], $0xffff  }
0x74: {  	v18 =	vld.idx.msk [tilespmem:v18+s3+$0x0], $0xffff  }
0x75: {  	vm8 =	vgt.s32 v2, $0xC;
	vm9 =	vgt.s32 v2, $0xD;
	vm1 =	vgt.s32 v2, $0xE;
	v15 =	vld.idx.msk [tilespmem:v15+s3+$0x0], $0xffff  }
0x76: {  	vm10 =	vgt.s32 v2, $0x8;
	vm11 =	vgt.s32 v2, $0x9;
	vm0 =	vgt.s32 v2, $0xF;
	v13 =	vld.idx.msk [tilespmem:v13+s3+$0x0], $0xffff  }
0x77: {  	vm4 =	vgt.s32 v2, $0x0;
	vm3 =	vgt.s32 v2, $0xA;
	vm2 =	vgt.s32 v2, $0xB;
	v11 =	vld.idx.msk [tilespmem:v11+s3+$0x0], $0xffff  }
0x78: {  	vm5 =	vgt.s32 v2, $0x1;
	vm6 =	vgt.s32 v2, $0x2;
	v19 =	vcvt.s32.f32 v2;
	v10 =	vld.idx.msk [tilespmem:v10+s3+$0x0], $0xffff  }
0x79: {  	vm7 =	vgt.s32 v2, $0x3;
	vm12 =	vgt.s32 v2, $0x4;
	vm13 =	vgt.s32 v2, $0x5;
	v20 =	vld.idx.msk [tilespmem:v1+s24+$0x0 ss:$0x1], $0xffff;
	s24 =	sshra.s32 s25, $0x2  }
0x7a: {  	vm14 =	vgt.s32 v2, $0x6;
	vm15 =	vgt.s32 v2, $0x7;
	v2 =	vld [tilespmem:s24+$0x1B8A0];
	(erf) = vrcp.f32 v19  }
0x7b: {  	v7 =	vnsel vm8, $0x0, v7;
	v8 =	vnsel vm9, $0x0, v8;
	v9 =	vnsel vm10, $0x0, v9;
	v6 =	vld.idx.msk [tilespmem:v6+s3+$0x0], $0xffff  }
0x7c: {  	v12 =	vnsel vm11, $0x0, v12;
	v14 =	vnsel vm12, $0x0, v14;
	v15 =	vadd.f32 $0.0e+00, v15;
	v5 =	vld.idx.msk [tilespmem:v5+s3+$0x0], $0xffff  }
0x7d: {  	v16 =	vnsel vm13, $0x0, v16;
	v13 =	vadd.f32 $0.0e+00, v13;
	v11 =	vadd.f32 $0.0e+00, v11;
	v19 =	vld.idx.msk [tilespmem:v4+s3+$0x0], $0xffff  }
0x7e: {  	v4 =	vadd.f32 $0.0e+00, v10;
	v10 =	vnsel vm14, $0x0, v17;
	v17 =	vnsel vm15, $0x0, v18;
	v18 =	vld.idx.msk [tilespmem:v3+s3+$0x0], $0xffff  }
0x7f: {  	v13 =	vnsel vm5, $0x0, v13;
	v3 =	vnsel vm4, $0x0, v15;
	v11 =	vnsel vm6, $0x0, v11;
	v21 =	vld [tilespmem:s24+$0x19960]  }
0x80: {  	v13 =	vadd.f32 v16, v13;
	v15 =	vnsel vm7, $0x0, v4;
	v14 =	vadd.f32 v14, v3;
	v22 =	vld [tilespmem:s24+$0x19AF0]  }
0x81: {  	v10 =	vadd.f32 v10, v11;
	v11 =	vadd.f32 v17, v15;
	v6 =	vnsel vm3, $0x0, v6;
	v4 =	vld [tilespmem:s24+$0x19C80]  }
0x82: {  	v13 =	vadd.f32 v12, v13;
	v9 =	vadd.f32 v9, v14;
	v5 =	vnsel vm2, $0x0, v5;
	v3 =	vld [tilespmem:s24+$0x19E10]  }
0x83: {  	v10 =	vadd.f32 v6, v10;
	v5 =	vadd.f32 v5, v11;
	v11 =	vnsel vm1, $0x0, v19;
	v23 =	vld [tilespmem:s24+$0x19320];
	v19 =	vpop (erf)  }
0x84: {  	v8 =	vadd.f32 v8, v13;
	v7 =	vadd.f32 v7, v9;
	v9 =	vnsel vm0, $0x0, v18;
	v12 =	vld [tilespmem:s24+$0x194B0]  }
0x85: {  	v10 =	vadd.f32 v11, v10;
	v9 =	vadd.f32 v9, v5;
	v6 =	vld [tilespmem:s24+$0x19640]  }
0x86: {  	v5 =	vld [tilespmem:s24+$0x197D0]  }
0x87: {  	v7 =	vadd.f32 v8, v7;
	v8 =	vadd.f32 v9, v10;
	v14 =	vld [tilespmem:s24+$0x18CE0]  }
0x88: {  	v16 =	vld [tilespmem:s24+$0x18E70]  }
0x89: {  	v7 =	vadd.f32 v8, v7;
	v17 =	vld [tilespmem:s24+$0x19000]  }
0x8a: {  	v18 =	vld [tilespmem:s24+$0x19190]  }
0x8b: {  	v7 =	vmul.f32 v7, v19;
	v15 =	vld [tilespmem:s24+$0x186A0]  }
0x8c: {  	v13 =	vld [tilespmem:s24+$0x18830]  }
.Ltmp6:
0x8d: {  	v8 =	vsub.f32 v7, v20;
	v11 =	vld [tilespmem:s24+$0x189C0];
	(pc) =	sbr.rel @!p1 .LBB2_5-.Ltmp6, $4  }
0x8e: {  	v10 =	vld [tilespmem:s24+$0x18B50]  }
0x8f: {  	v19 =	vmul.f32 v8, v8;
	v7 =	vld.idx.msk [tilespmem:v21+s3+$0x0], $0xffff  }
0x90: {  	v8 =	vld.idx.msk [tilespmem:v22+s3+$0x0], $0xffff  }
0x91: {  	s25 =	sadd.s32 $0x40, s25;
	v0 =	vadd.f32 v19, v0;
	v9 =	vld.idx.msk [tilespmem:v23+s3+$0x0], $0xffff  }
0x92: {  	_ =	sdelay $0x3  }
0x93: {  	v12 =	vld.idx.msk [tilespmem:v12+s3+$0x0], $0xffff  }
0x94: {  	v14 =	vld.idx.msk [tilespmem:v14+s3+$0x0], $0xffff  }
0x95: {  	v16 =	vld.idx.msk [tilespmem:v16+s3+$0x0], $0xffff  }
0x96: {  	v17 =	vld.idx.msk [tilespmem:v17+s3+$0x0], $0xffff  }
0x97: {  	v18 =	vld.idx.msk [tilespmem:v18+s3+$0x0], $0xffff  }
0x98: {  	vm4 =	vgt.s32 v2, $0xC;
	vm5 =	vgt.s32 v2, $0xD;
	vm0 =	vgt.s32 v2, $0xE;
	v15 =	vld.idx.msk [tilespmem:v15+s3+$0x0], $0xffff  }
0x99: {  	vm6 =	vgt.s32 v2, $0x8;
	vm7 =	vgt.s32 v2, $0x9;
	vm1 =	vgt.s32 v2, $0xF;
	v13 =	vld.idx.msk [tilespmem:v13+s3+$0x0], $0xffff  }
0x9a: {  	vm8 =	vgt.s32 v2, $0x0;
	vm3 =	vgt.s32 v2, $0xA;
	vm2 =	vgt.s32 v2, $0xB;
	v11 =	vld.idx.msk [tilespmem:v11+s3+$0x0], $0xffff  }
0x9b: {  	vm9 =	vgt.s32 v2, $0x1;
	vm10 =	vgt.s32 v2, $0x2;
	v19 =	vcvt.s32.f32 v2;
	v10 =	vld.idx.msk [tilespmem:v10+s3+$0x0], $0xffff  }
0x9c: {  	vm11 =	vgt.s32 v2, $0x3;
	vm12 =	vgt.s32 v2, $0x4;
	vm13 =	vgt.s32 v2, $0x5;
	v6 =	vld.idx.msk [tilespmem:v6+s3+$0x0], $0xffff  }
0x9d: {  	vm14 =	vgt.s32 v2, $0x6;
	vm15 =	vgt.s32 v2, $0x7;
	(erf) = vrcp.f32 v19  }
0x9e: {  	v7 =	vnsel vm4, $0x0, v7;
	v2 =	vnsel vm6, $0x0, v9;
	v58 =	vadd.f32 $0.0e+00, v15  }
0x9f: {  	v5 =	vld.idx.msk [tilespmem:v5+s3+$0x0], $0xffff;
	v14 =	vnsel vm12, $0x0, v14;
	v12 =	vnsel vm7, $0x0, v12;
	v13 =	vadd.f32 $0.0e+00, v13  }
0xa0: {  	v4 =	vld.idx.msk [tilespmem:v4+s3+$0x0], $0xffff;
	v11 =	vadd.f32 $0.0e+00, v11;
	v59 =	vnsel vm13, $0x0, v16;
	v10 =	vadd.f32 $0.0e+00, v10  }
0xa1: {  	v3 =	vld.idx.msk [tilespmem:v3+s3+$0x0], $0xffff;
	v60 =	vnsel vm14, $0x0, v17;
	v61 =	vnsel vm15, $0x0, v18;
	v6 =	vnsel vm3, $0x0, v6  }
0xa2: {  	v9 =	vnsel vm8, $0x0, v58;
	v11 =	vnsel vm10, $0x0, v11;
	v10 =	vnsel vm11, $0x0, v10  }
0xa3: {  	v13 =	vnsel vm9, $0x0, v13;
	v11 =	vadd.f32 v60, v11;
	v10 =	vadd.f32 v61, v10  }
0xa4: {  	v5 =	vnsel vm2, $0x0, v5;
	v9 =	vadd.f32 v14, v9;
	v13 =	vadd.f32 v59, v13  }
0xa5: {  	v4 =	vnsel vm0, $0x0, v4;
	v6 =	vadd.f32 v6, v11;
	v5 =	vadd.f32 v5, v10  }
0xa6: {  	v3 =	vnsel vm1, $0x0, v3;
	v2 =	vadd.f32 v2, v9;
	v62 =	vadd.f32 v12, v13  }
0xa7: {  	v8 =	vnsel vm5, $0x0, v8;
	v4 =	vadd.f32 v4, v6;
	v3 =	vadd.f32 v3, v5  }
0xa8: {  	v2 =	vadd.f32 v7, v2;
	v63 =	vadd.f32 v8, v62  }
0xa9: {  	v3 =	vadd.f32 v3, v4  }
0xaa: {  	v2 =	vadd.f32 v63, v2  }
0xab: {  	v1 =	vld.idx.msk [tilespmem:v1+s24+$0x0 ss:$0x1], $0xffff  }
0xac: {  	v2 =	vadd.f32 v3, v2  }
0xad: {  	v3 =	vpop (erf)  }
0xae: {  	v2 =	vmul.f32 v2, v3;
	_ =	sdelay $0x1  }
.Ltmp7:
0xaf: {  	v1 =	vsub.f32 v2, v1;
	(pc) =	sbr.rel .LBB2_10-.Ltmp7, $3  }
0xb0: {  	_ = 	snop  }
0xb1: {  	v1 =	vmul.f32 v1, v1;
	_ =	sdelay $0x1  }
0xb2: {  	v0 =	vadd.f32 v1, v0  }
.LBB2_7:
0xb3: {  	s24 =	smul.u32 $0x190, s22;
	_ =	sdelay $0x1  }
0xb4: {  	s24 =	sadd.s32 s24, s9  }
0xb5: {  	s24 =	sshrl.u32 s24, $0x3  }
0xb6: {  	s25 =	sadd.s32 s4, s24  }
0xb7: {  	[tilespmem:s16], [sflag:$0x2] =	stream.strided.gather [hbm4b:s25+s15], $0x1900, s16, s15, $0x38;
	[tilespmem:$0x1BBD0] =	vst v63  }
0xb8: {  	s31 =	simm.s32 $0x0;
	s24 =	sadd.s32 s2, s24  }
0xb9: {  	[tilespmem:s17], [sflag:$0x2] =	stream.linear.gather [hbm4b:s24+s31], $0x190, $0x38;
	[tilespmem:$0x1BBD0] =	vst v63  }
0xba: {  	_ =	swait.ge [sflag:s20], $0x1900  }
0xbb: {  	[sflag:s20] =	ssyncset.done $0x0  }
0xbc: {  	[sflag:s20] =	ssyncadd.s32 $0xFFFFE700  }
0xbd: {  	_ =	swait.ge [sflag:s20], $0x190  }
0xbe: {  	[sflag:s20] =	ssyncset.done $0x0  }
0xbf: {  	s24 =	simm.s32 $0x0;
	[sflag:s20] =	ssyncadd.s32 $0xFFFFFE70  }
0xc0: {  	v2 =	vld [tilespmem:s24+$0x1BA30]  }
0xc1: {  	v1 =	vld [tilespmem:s24+$0x1B260]  }
0xc2: {  	v8 =	vld [tilespmem:s24+$0x1B3F0]  }
0xc3: {  	v4 =	vld [tilespmem:s24+$0x1B580]  }
0xc4: {  	v3 =	vld [tilespmem:s24+$0x1B710]  }
0xc5: {  	v9 =	vld [tilespmem:s24+$0x1AC20]  }
0xc6: {  	v12 =	vld [tilespmem:s24+$0x1ADB0]  }
0xc7: {  	v6 =	vld [tilespmem:s24+$0x1AF40]  }
0xc8: {  	v5 =	vld [tilespmem:s24+$0x1B0D0]  }
0xc9: {  	v14 =	vld [tilespmem:s24+$0x1A5E0]  }
0xca: {  	v16 =	vld [tilespmem:s24+$0x1A770]  }
0xcb: {  	v17 =	vld [tilespmem:s24+$0x1A900]  }
0xcc: {  	v18 =	vld [tilespmem:s24+$0x1AA90]  }
0xcd: {  	v15 =	vld [tilespmem:s24+$0x19FA0]  }
0xce: {  	v13 =	vld [tilespmem:s24+$0x1A130]  }
0xcf: {  	v11 =	vld [tilespmem:s24+$0x1A2C0]  }
0xd0: {  	v10 =	vld [tilespmem:s24+$0x1A450]  }
0xd1: {  	v7 =	vld.idx.msk [tilespmem:v1+s3+$0x0], $0xffff  }
0xd2: {  	v8 =	vld.idx.msk [tilespmem:v8+s3+$0x0], $0xffff  }
0xd3: {  	s25 =	simm.s32 $0x40;
	v1 =	vmov s23;
	v9 =	vld.idx.msk [tilespmem:v9+s3+$0x0], $0xffff  }
.LBB2_8:
0xd4: {  	p1 =	sne.s32 s25, $0x600;
	v12 =	vld.idx.msk [tilespmem:v12+s3+$0x0], $0xffff  }
0xd5: {  	v14 =	vld.idx.msk [tilespmem:v14+s3+$0x0], $0xffff  }
0xd6: {  	v16 =	vld.idx.msk [tilespmem:v16+s3+$0x0], $0xffff  }
0xd7: {  	v17 =	vld.idx.msk [tilespmem:v17+s3+$0x0], $0xffff  }
0xd8: {  	v18 =	vld.idx.msk [tilespmem:v18+s3+$0x0], $0xffff  }
0xd9: {  	vm8 =	vgt.s32 v2, $0xC;
	vm9 =	vgt.s32 v2, $0xD;
	vm1 =	vgt.s32 v2, $0xE;
	v15 =	vld.idx.msk [tilespmem:v15+s3+$0x0], $0xffff  }
0xda: {  	vm10 =	vgt.s32 v2, $0x8;
	vm11 =	vgt.s32 v2, $0x9;
	vm0 =	vgt.s32 v2, $0xF;
	v13 =	vld.idx.msk [tilespmem:v13+s3+$0x0], $0xffff  }
0xdb: {  	vm4 =	vgt.s32 v2, $0x0;
	vm3 =	vgt.s32 v2, $0xA;
	vm2 =	vgt.s32 v2, $0xB;
	v11 =	vld.idx.msk [tilespmem:v11+s3+$0x0], $0xffff  }
0xdc: {  	vm5 =	vgt.s32 v2, $0x1;
	vm6 =	vgt.s32 v2, $0x2;
	v19 =	vcvt.s32.f32 v2;
	v10 =	vld.idx.msk [tilespmem:v10+s3+$0x0], $0xffff  }
0xdd: {  	vm7 =	vgt.s32 v2, $0x3;
	vm12 =	vgt.s32 v2, $0x4;
	vm13 =	vgt.s32 v2, $0x5;
	v20 =	vld.idx.msk [tilespmem:v1+s24+$0x0 ss:$0x1], $0xffff;
	s24 =	sshra.s32 s25, $0x2  }
0xde: {  	vm14 =	vgt.s32 v2, $0x6;
	vm15 =	vgt.s32 v2, $0x7;
	v2 =	vld [tilespmem:s24+$0x1BA30];
	(erf) = vrcp.f32 v19  }
0xdf: {  	v9 =	vnsel vm10, $0x0, v9;
	v7 =	vnsel vm8, $0x0, v7;
	v8 =	vnsel vm9, $0x0, v8;
	v6 =	vld.idx.msk [tilespmem:v6+s3+$0x0], $0xffff  }
0xe0: {  	v12 =	vnsel vm11, $0x0, v12;
	v14 =	vnsel vm12, $0x0, v14;
	v15 =	vadd.f32 $0.0e+00, v15;
	v5 =	vld.idx.msk [tilespmem:v5+s3+$0x0], $0xffff  }
0xe1: {  	v16 =	vnsel vm13, $0x0, v16;
	v13 =	vadd.f32 $0.0e+00, v13;
	v11 =	vadd.f32 $0.0e+00, v11;
	v19 =	vld.idx.msk [tilespmem:v4+s3+$0x0], $0xffff  }
0xe2: {  	v4 =	vadd.f32 $0.0e+00, v10;
	v10 =	vnsel vm14, $0x0, v17;
	v17 =	vnsel vm15, $0x0, v18;
	v18 =	vld.idx.msk [tilespmem:v3+s3+$0x0], $0xffff  }
0xe3: {  	v13 =	vnsel vm5, $0x0, v13;
	v3 =	vnsel vm4, $0x0, v15;
	v11 =	vnsel vm6, $0x0, v11;
	v21 =	vld [tilespmem:s24+$0x1B260]  }
0xe4: {  	v13 =	vadd.f32 v16, v13;
	v15 =	vnsel vm7, $0x0, v4;
	v14 =	vadd.f32 v14, v3;
	v22 =	vld [tilespmem:s24+$0x1B3F0]  }
0xe5: {  	v10 =	vadd.f32 v10, v11;
	v11 =	vadd.f32 v17, v15;
	v6 =	vnsel vm3, $0x0, v6;
	v4 =	vld [tilespmem:s24+$0x1B580]  }
0xe6: {  	v13 =	vadd.f32 v12, v13;
	v9 =	vadd.f32 v9, v14;
	v5 =	vnsel vm2, $0x0, v5;
	v3 =	vld [tilespmem:s24+$0x1B710]  }
0xe7: {  	v10 =	vadd.f32 v6, v10;
	v5 =	vadd.f32 v5, v11;
	v11 =	vnsel vm1, $0x0, v19;
	v23 =	vld [tilespmem:s24+$0x1AC20];
	v19 =	vpop (erf)  }
0xe8: {  	v8 =	vadd.f32 v8, v13;
	v7 =	vadd.f32 v7, v9;
	v9 =	vnsel vm0, $0x0, v18;
	v12 =	vld [tilespmem:s24+$0x1ADB0]  }
0xe9: {  	v10 =	vadd.f32 v11, v10;
	v9 =	vadd.f32 v9, v5;
	v6 =	vld [tilespmem:s24+$0x1AF40]  }
0xea: {  	v5 =	vld [tilespmem:s24+$0x1B0D0]  }
0xeb: {  	v7 =	vadd.f32 v8, v7;
	v8 =	vadd.f32 v9, v10;
	v14 =	vld [tilespmem:s24+$0x1A5E0]  }
0xec: {  	v16 =	vld [tilespmem:s24+$0x1A770]  }
0xed: {  	v7 =	vadd.f32 v8, v7;
	v17 =	vld [tilespmem:s24+$0x1A900]  }
0xee: {  	v18 =	vld [tilespmem:s24+$0x1AA90]  }
0xef: {  	v7 =	vmul.f32 v7, v19;
	v15 =	vld [tilespmem:s24+$0x19FA0]  }
0xf0: {  	v13 =	vld [tilespmem:s24+$0x1A130]  }
.Ltmp8:
0xf1: {  	v8 =	vsub.f32 v7, v20;
	v11 =	vld [tilespmem:s24+$0x1A2C0];
	(pc) =	sbr.rel @p1 .LBB2_8-.Ltmp8, $4  }
0xf2: {  	v10 =	vld [tilespmem:s24+$0x1A450]  }
0xf3: {  	v19 =	vmul.f32 v8, v8;
	v7 =	vld.idx.msk [tilespmem:v21+s3+$0x0], $0xffff  }
0xf4: {  	v8 =	vld.idx.msk [tilespmem:v22+s3+$0x0], $0xffff  }
0xf5: {  	s25 =	sadd.s32 $0x40, s25;
	v0 =	vadd.f32 v19, v0;
	v9 =	vld.idx.msk [tilespmem:v23+s3+$0x0], $0xffff  }
.Ltmp9:
0xf6: {  	_ = 	snop;
	(pc) =	sbr.rel .LBB2_9-.Ltmp9, $1  }
0xf7: {  	_ =	sdelay $0x3  }
.LBB2_12:
0xf8: {  	_ =	sfence.sel $0x180000  }
0xf9: {  	[bflag:$0x0] =	sbarrier.arrive $0xFFFF  }
0xfa: {  	p0 =	sne.s32 s0, $0x0;
	_ =	strace $0x90000047  }
0xfb: {  	s0 =	sadd.s32 @!p0 $0x100000, s1;
	[bflag:$0x2] =	sbarrier.arrive $0xFFFF  }
0xfc: {  	[sflag:s0] =	ssyncadd.tile.s32 @!p0 $0x1;
	_ =	shalt  }
.Lfunc_end2:
_tile_overlayer_lowered:
.L_overlay_start_2:
0xfd: {  	(tag) =	ssettag $0x2  }
0xfe: {  	s0 =	rddreg [dreg:$0x0];
	s2 =	stileid.u32  }
0xff: {  	s1 =	rddreg [dreg:$0x1];
	p0 =	sne.s32 s2, $0x0  }
0x100: {  	s3 =	rddreg [dreg:$0x2];
	[bflag:$0x3] =	sbarrier.arrive $0xFFFF;
	s2 =	simm.s32 @!p0 $0x1C04  }
0x101: {  	[timem:s3], [sflag:s2] =	dma.local @!p0 [hbm:s0], s1  }
0x102: {  	s0 =	simm.s32 @!p0 $0x4  }
0x103: {  	_ =	swait.ge @!p0 [sflag:s0], s1  }
0x104: {  	s1 =	ssub.s32 @!p0 $0x0, s1;
	[sflag:s0] =	ssyncset.done @!p0 $0x0  }
0x105: {  	[sflag:s0] =	ssyncadd.s32 @!p0 s1  }
0x106: {  	[bflag:$0x3] =	sbarrier.arrive $0xFFFF  }
0x107: {  	_ =	shalt  }

</sc_bundles>
